<compile_context>
chip_gen: v7x
topology: tpu7x:2x2x1
jax: 0.10.2.dev20260603
libtpu: 0.0.44.dev20260713+nightly
codegen_flags: <defaults>
</compile_context>

<pallas_src>
import jax
import jax.numpy as jnp
from jax import lax
from jax.experimental import pallas as pl
from jax.experimental.pallas import tpu as pltpu
from jax.experimental.pallas import tpu_sc as plsc

H = 512
W = 512
N_PTS = 4096

NC = 2
NS = 16
NW = NC * NS
PAIRS = 2 * N_PTS
PER_W = PAIRS // NW
K = 32
NCH = PER_W // K
WP = W // 2
VPR = WP // 16


def _rne_bits(x):
    b = lax.bitcast_convert_type(x, jnp.int32)
    return b + 0x7FFF + ((b >> 16) & 1)


def _rne_bf16(x):
    return lax.bitcast_convert_type(_rne_bits(x) & -65536, jnp.float32)


def _pack_bf16_pair(x):
    a = lax.bitcast_convert_type(x[:, :WP].astype(jnp.bfloat16), jnp.int16)
    b = lax.bitcast_convert_type(x[:, WP:].astype(jnp.bfloat16), jnp.int16)
    return (a.astype(jnp.int32) & 0xFFFF) | (b.astype(jnp.int32) << 16)


def _project_body(rmat_ref, tvec_ref, projk_ref, pred_ref, pn_ref,
                  pcn_out, pn_out):
    fu = projk_ref[0, 0]
    fv = projk_ref[1, 1]
    cu = projk_ref[0, 2]
    cv = projk_ref[1, 2]
    r20 = _rne_bf16(jnp.full((H, W), rmat_ref[0, 2, 0], jnp.float32))
    r21 = _rne_bf16(jnp.full((H, W), rmat_ref[0, 2, 1], jnp.float32))
    r22 = _rne_bf16(jnp.full((H, W), rmat_ref[0, 2, 2], jnp.float32))
    t2 = tvec_ref[0, 2]
    u = lax.broadcasted_iota(jnp.int32, (H, W), 1).astype(jnp.float32)
    v = lax.broadcasted_iota(jnp.int32, (H, W), 0).astype(jnp.float32)
    p = pred_ref[0, 0]

    x_cam = (u - cu) / fu
    y_cam = (v - cv) / fv
    pcn = (r20 * _rne_bf16(p * x_cam) + r21 * _rne_bf16(p * y_cam)
           + r22 * _rne_bf16(p)) + t2
    pcn_out[...] = _pack_bf16_pair(pcn)
    pn_out[...] = _pack_bf16_pair(pn_ref[0, 0])


def _project(R_mat, t_vec, proj_k, pred, pred_near):
    return pl.pallas_call(
        _project_body,
        out_shape=(
            jax.ShapeDtypeStruct((H, WP), jnp.int32),
            jax.ShapeDtypeStruct((H, WP), jnp.int32),
        ),
        in_specs=[
            pl.BlockSpec(memory_space=pltpu.SMEM),
            pl.BlockSpec(memory_space=pltpu.SMEM),
            pl.BlockSpec(memory_space=pltpu.SMEM),
            pl.BlockSpec(memory_space=pltpu.VMEM),
            pl.BlockSpec(memory_space=pltpu.VMEM),
        ],
        out_specs=(
            pl.BlockSpec(memory_space=pltpu.VMEM),
            pl.BlockSpec(memory_space=pltpu.VMEM),
        ),
    )(R_mat, t_vec, proj_k, pred, pred_near)


def _sc_loss_body(pcn_hbm, pn_hbm, idxc_hbm, idxn_hbm, out_hbm,
                  idxc_v, idxn_v, rows_c0, rows_c1, rows_n0, rows_n1,
                  acc_v, sem_c0, sem_c1, sem_n0, sem_n1):
    wid = lax.axis_index("s") * NC + lax.axis_index("c")
    pltpu.sync_copy(idxc_hbm.at[pl.ds(wid * PER_W, PER_W)], idxc_v)
    pltpu.sync_copy(idxn_hbm.at[pl.ds(wid * PER_W, PER_W)], idxn_v)

    rows_c = (rows_c0, rows_c1)
    rows_n = (rows_n0, rows_n1)
    sems_c = (sem_c0, sem_c1)
    sems_n = (sem_n0, sem_n1)

    def start(off, b):
        if not isinstance(off, int):
            off = pl.multiple_of(off, K)
        cp_c = pltpu.async_copy(pcn_hbm.at[idxc_v.at[pl.ds(off, K)]],
                                rows_c[b], sems_c[b])
        cp_n = pltpu.async_copy(pn_hbm.at[idxn_v.at[pl.ds(off, K)]],
                                rows_n[b], sems_n[b])
        return cp_c, cp_n

    def wait(b):
        pltpu.make_async_copy(pcn_hbm.at[pl.ds(0, K)], rows_c[b],
                              sems_c[b]).wait()
        pltpu.make_async_copy(pn_hbm.at[pl.ds(0, K)], rows_n[b],
                              sems_n[b]).wait()

    himask = jnp.full((16,), -65536, jnp.int32)
    shift = jnp.full((16,), 16, jnp.int32)

    def _halves(w):
        lo = lax.bitcast_convert_type(w << shift, jnp.float32)
        hi = lax.bitcast_convert_type(w & himask, jnp.float32)
        return lo, hi

    def make_row_body(rc, rn):
        def row_body(j, accs):
            a = list(accs)
            for v in range(VPR):
                c_lo, c_hi = _halves(rc[j, pl.ds(v * 16, 16)])
                n_lo, n_hi = _halves(rn[j, pl.ds(v * 16, 16)])
                a[(2 * v) % 4] = a[(2 * v) % 4] + jnp.abs(n_lo - c_lo)
                a[(2 * v + 1) % 4] = a[(2 * v + 1) % 4] + jnp.abs(n_hi - c_hi)
            return tuple(a)
        return row_body

    accs = (jnp.zeros((16,), jnp.float32),) * 4
    NB = 2
    for b in range(NB):
        start(b * K, b)

    def round_chunks(t, accs):
        for b in range(NB):
            wait(b)
            accs = lax.fori_loop(0, K,
                                 make_row_body(rows_c[b], rows_n[b]), accs)

            @pl.when(t + 1 < NCH // NB)
            def _(b=b, t=t):
                start((NB * t + NB + b) * K, b)

        return accs

    accs = lax.fori_loop(0, NCH // NB, round_chunks, accs)

    acc_v[...] = (accs[0] + accs[1]) + (accs[2] + accs[3])
    pltpu.sync_copy(acc_v, out_hbm.at[wid])


@jax.jit
def _sc_loss(pcn, pn, idx_c, idx_n):
    mesh = plsc.VectorSubcoreMesh(core_axis_name="c", subcore_axis_name="s")
    run = pl.kernel(
        _sc_loss_body,
        mesh=mesh,
        out_type=jax.ShapeDtypeStruct((NW, 16), jnp.float32),
        scratch_types=(
            [pltpu.VMEM((PER_W,), jnp.int32)] * 2
            + [pltpu.VMEM((K, WP), jnp.int32)] * 4
            + [pltpu.VMEM((16,), jnp.float32)]
            + [pltpu.SemaphoreType.DMA] * 4
        ),
    )
    return run(pcn, pn, idx_c, idx_n)


def kernel(pts_for_loss, pts_for_loss_near, pred, pred_near, R_mat, t_vec,
           proj_k, batch_data, index):
    idx_c = pts_for_loss.reshape(PAIRS).astype(jnp.int32)
    idx_n = pts_for_loss_near.reshape(PAIRS).astype(jnp.int32)

    pcn, pn = _project(R_mat.astype(jnp.float32), t_vec.astype(jnp.float32),
                       proj_k.astype(jnp.float32), pred.astype(jnp.float32),
                       pred_near.astype(jnp.float32))
    partials = _sc_loss(pcn, pn, idx_c, idx_n)
    return partials.sum() / jnp.float32(PAIRS * W)

# --- scband reference (transcript-rebuilt; emitter-appended) ---
"""Pipeline reference for scband-covisual-loss-83296595739114 (READ-ONLY COPY).

The authoritative reference and input builder live on the scoring server;
editing this copy changes nothing except your own understanding.
"""

import jax, jax.numpy as jnp
import numpy as np

WIDTH = 512
HEIGHT = 512
N_PTS = 4096


def setup_inputs(seed: int = 0) -> dict:
    key = jax.random.key(seed)
    k1, k2, k3, k4, k5, k6 = jax.random.split(key, 6)
    pts_for_loss = jax.random.randint(k1, (1, N_PTS, 2), 0, 512)
    pts_for_loss_near = jax.random.randint(k2, (1, N_PTS, 2), 0, 512)
    pred = jax.random.uniform(k3, (1, 1, HEIGHT, WIDTH), dtype=jnp.float32)
    pred_near = jax.random.uniform(k4, (1, 1, HEIGHT, WIDTH), dtype=jnp.float32)
    R_mat = jax.random.normal(k5, (1, 3, 3), dtype=jnp.float32)
    t_vec = jax.random.normal(k6, (1, 3), dtype=jnp.float32)
    proj_k = jnp.ones((3, 3), dtype=jnp.float32)
    batch_data = jnp.zeros((1,), dtype=jnp.float32)
    index = 0
    return {
        'pts_for_loss': pts_for_loss,
        'pts_for_loss_near': pts_for_loss_near,
        'pred': pred,
        'pred_near': pred_near,
        'R_mat': R_mat,
        't_vec': t_vec,
        'proj_k': proj_k,
        'batch_data': batch_data,
        'index': index,
    }


def reference(pts_for_loss, pts_for_loss_near, pred, pred_near, R_mat, t_vec, proj_k, batch_data, index):
    width, height = WIDTH, HEIGHT
    # self.U / self.V grids
    U = jnp.broadcast_to(jnp.arange(width, dtype=jnp.float32), (height, width))
    V = jnp.broadcast_to(jnp.arange(height, dtype=jnp.float32), (width, height)).T
    fu = proj_k[0, 0]
    fv = proj_k[1, 1]
    cu = proj_k[0, 2]
    cv = proj_k[1, 2]
    X_cam = (U - cu) / fu
    Y_cam = (V - cv) / fv
    # image_to_pointcloud
    X = pred * X_cam
    Y = pred * Y_cam
    pointcloud_curr = jnp.concatenate((X, Y, pred), axis=1)  # [B,3,H,W]
    # transform_curr_to_near
    B = pointcloud_curr.shape[0]
    XYZ_ = jnp.einsum('bij,bjk->bik', R_mat, pointcloud_curr.reshape(B, 3, -1))
    pointcloud_near = (XYZ_[:, 2, :] + t_vec[:, 2][:, None]).reshape(-1, 1, height, width)
    # keypoint loss (single iteration, B=1; RANSAC/Homography filtering treated as identity)
    pts = jnp.squeeze(pts_for_loss)        # [N,2]
    pts_near = jnp.squeeze(pts_for_loss_near)
    pts = pts.T                            # [2,N]
    pts_near = pts_near.T
    pts = pts[jnp.array([1, 0]), :]        # swap rows -> [v; u]
    pts_near = pts_near[jnp.array([1, 0]), :]
    pn = jnp.squeeze(pred_near)            # [H,W]
    pcn = jnp.squeeze(pointcloud_near)     # [H,W]
    # torch's pred_near[pts] on a 2D tensor gathers rows along dim 0 -> [2,N,W]
    loss_buffer = jnp.abs(jnp.take(pn, pts_near, axis=0) - jnp.take(pcn, pts, axis=0))
    return loss_buffer.mean()

if __name__ == "__main__":
    import jax
    _d = setup_inputs()
    print(jax.jit(kernel)(*tuple(_d.values())))

</pallas_src>

<mosaic_0001>
#map = affine_map<(d0, d1) -> (0, 0)>
#map1 = affine_map<(d0, d1) -> (0)>
module attributes {stable_mosaic.version = 14 : i64} {
  func.func @_sc_loss_body(%arg0: i32, %arg1: i32, %arg2: memref<512x256xi32, #tpu.memory_space<hbm>>, %arg3: memref<512x256xi32, #tpu.memory_space<hbm>>, %arg4: memref<8192xi32, #tpu.memory_space<hbm>>, %arg5: memref<8192xi32, #tpu.memory_space<hbm>>, %arg6: memref<32x16xf32, #tpu.memory_space<hbm>>, %arg7: memref<256xi32, #tpu.memory_space<vmem>>, %arg8: memref<256xi32, #tpu.memory_space<vmem>>, %arg9: memref<32x256xi32, #tpu.memory_space<vmem>>, %arg10: memref<32x256xi32, #tpu.memory_space<vmem>>, %arg11: memref<32x256xi32, #tpu.memory_space<vmem>>, %arg12: memref<32x256xi32, #tpu.memory_space<vmem>>, %arg13: memref<16xf32, #tpu.memory_space<vmem>>, %arg14: memref<!tpu.dma_semaphore, #tpu.memory_space<semaphore_mem>>, %arg15: memref<!tpu.dma_semaphore, #tpu.memory_space<semaphore_mem>>, %arg16: memref<!tpu.dma_semaphore, #tpu.memory_space<semaphore_mem>>, %arg17: memref<!tpu.dma_semaphore, #tpu.memory_space<semaphore_mem>>) attributes {dimension_semantics = [#tpu.dimension_semantics<core_parallel>, #tpu.dimension_semantics<subcore_parallel>], iteration_bounds = array<i64: 2, 16>, scalar_prefetch = 0 : i64, scratch_operands = 11 : i64, tpu.core_type = #tpu.core_type<sc_vector_subcore>, window_params = [{transform_indices = #map}, {transform_indices = #map}, {transform_indices = #map1}, {transform_indices = #map1}, {transform_indices = #map}]} {
    %mul3A = arith.constant 2 : i32
    %mul3A_0 = arith.muli %arg1, %mul3A : i32
    %add3A = arith.addi %mul3A_0, %arg0 : i32
    %mul3A_1 = arith.constant 256 : i32
    %mul3A_2 = arith.muli %add3A, %mul3A_1 : i32
    "tpu.region"() ({
      %run_scoped3A = tpu.sem_alloc : memref<!tpu.dma_semaphore, #tpu.memory_space<semaphore_mem>>
      %dma_start3A_40 = tpu.memref_slice %arg4[%mul3A_2] : memref<8192xi32, #tpu.memory_space<hbm>> -> memref<256xi32, #tpu.memory_space<hbm>>
      %dma_start3A_41 = tpu.memref_slice %arg4[%mul3A_2] : memref<8192xi32, #tpu.memory_space<hbm>> -> memref<256xi32, #tpu.memory_space<hbm>>
      tpu.enqueue_dma source(%dma_start3A_41 : memref<256xi32, #tpu.memory_space<hbm>>) target(%arg7 : memref<256xi32, #tpu.memory_space<vmem>>) target_semaphore(%run_scoped3A : memref<!tpu.dma_semaphore, #tpu.memory_space<semaphore_mem>>)
      %dma_wait3A = tpu.memref_slice %arg4[%mul3A_2] : memref<8192xi32, #tpu.memory_space<hbm>> -> memref<256xi32, #tpu.memory_space<hbm>>
      %dma_wait3A_42 = tpu.memref_slice %arg4[%mul3A_2] : memref<8192xi32, #tpu.memory_space<hbm>> -> memref<256xi32, #tpu.memory_space<hbm>>
      tpu.wait_dma2 semaphore(%run_scoped3A : memref<!tpu.dma_semaphore, #tpu.memory_space<semaphore_mem>>) src(%dma_wait3A_42 : memref<256xi32, #tpu.memory_space<hbm>>) dst(%arg7 : memref<256xi32, #tpu.memory_space<vmem>>)
      tpu.yield
    }) : () -> ()
    %mul3A_3 = arith.constant 256 : i32
    %mul3A_4 = arith.muli %add3A, %mul3A_3 : i32
    "tpu.region"() ({
      %run_scoped3A = tpu.sem_alloc : memref<!tpu.dma_semaphore, #tpu.memory_space<semaphore_mem>>
      %dma_start3A_40 = tpu.memref_slice %arg5[%mul3A_4] : memref<8192xi32, #tpu.memory_space<hbm>> -> memref<256xi32, #tpu.memory_space<hbm>>
      %dma_start3A_41 = tpu.memref_slice %arg5[%mul3A_4] : memref<8192xi32, #tpu.memory_space<hbm>> -> memref<256xi32, #tpu.memory_space<hbm>>
      tpu.enqueue_dma source(%dma_start3A_41 : memref<256xi32, #tpu.memory_space<hbm>>) target(%arg8 : memref<256xi32, #tpu.memory_space<vmem>>) target_semaphore(%run_scoped3A : memref<!tpu.dma_semaphore, #tpu.memory_space<semaphore_mem>>)
      %dma_wait3A = tpu.memref_slice %arg5[%mul3A_4] : memref<8192xi32, #tpu.memory_space<hbm>> -> memref<256xi32, #tpu.memory_space<hbm>>
      %dma_wait3A_42 = tpu.memref_slice %arg5[%mul3A_4] : memref<8192xi32, #tpu.memory_space<hbm>> -> memref<256xi32, #tpu.memory_space<hbm>>
      tpu.wait_dma2 semaphore(%run_scoped3A : memref<!tpu.dma_semaphore, #tpu.memory_space<semaphore_mem>>) src(%dma_wait3A_42 : memref<256xi32, #tpu.memory_space<hbm>>) dst(%arg8 : memref<256xi32, #tpu.memory_space<vmem>>)
      tpu.yield
    }) : () -> ()
    %broadcast_in_dim3A = arith.constant -65536 : i32
    %broadcast_in_dim3A_5 = vector.broadcast %broadcast_in_dim3A : i32 to vector<16xi32>
    %broadcast_in_dim3A_6 = arith.constant 16 : i32
    %broadcast_in_dim3A_7 = vector.broadcast %broadcast_in_dim3A_6 : i32 to vector<16xi32>
    %broadcast_in_dim3A_8 = arith.constant 0.000000e+00 : f32
    %broadcast_in_dim3A_9 = vector.broadcast %broadcast_in_dim3A_8 : f32 to vector<16xf32>
    %dma_start3A = arith.constant 0 : i32
    %dma_start3A_10 = tpu.memref_slice %arg7[%dma_start3A] : memref<256xi32, #tpu.memory_space<vmem>> -> memref<32xi32, #tpu.memory_space<vmem>>
    %dma_start3A_11 = arith.constant 0 : i32
    %dma_start3A_12 = arith.constant 0 : i32
    %dma_start3A_13 = tpu.memref_slice %arg2[%dma_start3A_11, %dma_start3A_12] : memref<512x256xi32, #tpu.memory_space<hbm>> -> memref<512x256xi32, #tpu.memory_space<hbm>>
    tpu.enqueue_indirect_dma source(%dma_start3A_13 : memref<512x256xi32, #tpu.memory_space<hbm>>) target(%arg9 : memref<32x256xi32, #tpu.memory_space<vmem>>) offsets(%dma_start3A_10 : memref<32xi32, #tpu.memory_space<vmem>>) semaphore(%arg14 : memref<!tpu.dma_semaphore, #tpu.memory_space<semaphore_mem>>)
    %dma_start3A_14 = arith.constant 0 : i32
    %dma_start3A_15 = tpu.memref_slice %arg8[%dma_start3A_14] : memref<256xi32, #tpu.memory_space<vmem>> -> memref<32xi32, #tpu.memory_space<vmem>>
    %dma_start3A_16 = arith.constant 0 : i32
    %dma_start3A_17 = arith.constant 0 : i32
    %dma_start3A_18 = tpu.memref_slice %arg3[%dma_start3A_16, %dma_start3A_17] : memref<512x256xi32, #tpu.memory_space<hbm>> -> memref<512x256xi32, #tpu.memory_space<hbm>>
    tpu.enqueue_indirect_dma source(%dma_start3A_18 : memref<512x256xi32, #tpu.memory_space<hbm>>) target(%arg11 : memref<32x256xi32, #tpu.memory_space<vmem>>) offsets(%dma_start3A_15 : memref<32xi32, #tpu.memory_space<vmem>>) semaphore(%arg16 : memref<!tpu.dma_semaphore, #tpu.memory_space<semaphore_mem>>)
    %dma_start3A_19 = arith.constant 32 : i32
    %dma_start3A_20 = tpu.memref_slice %arg7[%dma_start3A_19] : memref<256xi32, #tpu.memory_space<vmem>> -> memref<32xi32, #tpu.memory_space<vmem>>
    %dma_start3A_21 = arith.constant 0 : i32
    %dma_start3A_22 = arith.constant 0 : i32
    %dma_start3A_23 = tpu.memref_slice %arg2[%dma_start3A_21, %dma_start3A_22] : memref<512x256xi32, #tpu.memory_space<hbm>> -> memref<512x256xi32, #tpu.memory_space<hbm>>
    tpu.enqueue_indirect_dma source(%dma_start3A_23 : memref<512x256xi32, #tpu.memory_space<hbm>>) target(%arg10 : memref<32x256xi32, #tpu.memory_space<vmem>>) offsets(%dma_start3A_20 : memref<32xi32, #tpu.memory_space<vmem>>) semaphore(%arg15 : memref<!tpu.dma_semaphore, #tpu.memory_space<semaphore_mem>>)
    %dma_start3A_24 = arith.constant 32 : i32
    %dma_start3A_25 = tpu.memref_slice %arg8[%dma_start3A_24] : memref<256xi32, #tpu.memory_space<vmem>> -> memref<32xi32, #tpu.memory_space<vmem>>
    %dma_start3A_26 = arith.constant 0 : i32
    %dma_start3A_27 = arith.constant 0 : i32
    %dma_start3A_28 = tpu.memref_slice %arg3[%dma_start3A_26, %dma_start3A_27] : memref<512x256xi32, #tpu.memory_space<hbm>> -> memref<512x256xi32, #tpu.memory_space<hbm>>
    tpu.enqueue_indirect_dma source(%dma_start3A_28 : memref<512x256xi32, #tpu.memory_space<hbm>>) target(%arg12 : memref<32x256xi32, #tpu.memory_space<vmem>>) offsets(%dma_start3A_25 : memref<32xi32, #tpu.memory_space<vmem>>) semaphore(%arg17 : memref<!tpu.dma_semaphore, #tpu.memory_space<semaphore_mem>>)
    %scan3A = arith.constant 0 : i32
    %scan3A_29 = arith.constant 4 : i32
    %scan3A_30 = arith.addi %scan3A, %scan3A_29 : i32
    %scan3A_31 = arith.constant 1 : i32
    %scan3A_32:4 = scf.for %scan3A_40 = %scan3A to %scan3A_30 step %scan3A_31 iter_args(%scan3A_41 = %broadcast_in_dim3A_9, %scan3A_42 = %broadcast_in_dim3A_9, %scan3A_43 = %broadcast_in_dim3A_9, %scan3A_44 = %broadcast_in_dim3A_9) -> (vector<16xf32>, vector<16xf32>, vector<16xf32>, vector<16xf32>)  : i32 {
      %dma_wait3A = arith.constant 0 : i32
      %dma_wait3A_45 = arith.constant 0 : i32
      %dma_wait3A_46 = tpu.memref_slice %arg2[%dma_wait3A, %dma_wait3A_45] : memref<512x256xi32, #tpu.memory_space<hbm>> -> memref<32x256xi32, #tpu.memory_space<hbm>>
      %dma_wait3A_47 = arith.constant 0 : i32
      %dma_wait3A_48 = arith.constant 0 : i32
      %dma_wait3A_49 = tpu.memref_slice %arg2[%dma_wait3A_47, %dma_wait3A_48] : memref<512x256xi32, #tpu.memory_space<hbm>> -> memref<32x256xi32, #tpu.memory_space<hbm>>
      tpu.wait_dma2 semaphore(%arg14 : memref<!tpu.dma_semaphore, #tpu.memory_space<semaphore_mem>>) src(%dma_wait3A_49 : memref<32x256xi32, #tpu.memory_space<hbm>>) dst(%arg9 : memref<32x256xi32, #tpu.memory_space<vmem>>)
      %dma_wait3A_50 = arith.constant 0 : i32
      %dma_wait3A_51 = arith.constant 0 : i32
      %dma_wait3A_52 = tpu.memref_slice %arg3[%dma_wait3A_50, %dma_wait3A_51] : memref<512x256xi32, #tpu.memory_space<hbm>> -> memref<32x256xi32, #tpu.memory_space<hbm>>
      %dma_wait3A_53 = arith.constant 0 : i32
      %dma_wait3A_54 = arith.constant 0 : i32
      %dma_wait3A_55 = tpu.memref_slice %arg3[%dma_wait3A_53, %dma_wait3A_54] : memref<512x256xi32, #tpu.memory_space<hbm>> -> memref<32x256xi32, #tpu.memory_space<hbm>>
      tpu.wait_dma2 semaphore(%arg16 : memref<!tpu.dma_semaphore, #tpu.memory_space<semaphore_mem>>) src(%dma_wait3A_55 : memref<32x256xi32, #tpu.memory_space<hbm>>) dst(%arg11 : memref<32x256xi32, #tpu.memory_space<vmem>>)
      %scan3A_56 = arith.constant 0 : i32
      %scan3A_57 = arith.constant 32 : i32
      %scan3A_58 = arith.addi %scan3A_56, %scan3A_57 : i32
      %scan3A_59 = arith.constant 1 : i32
      %scan3A_60:4 = scf.for %scan3A_91 = %scan3A_56 to %scan3A_58 step %scan3A_59 iter_args(%scan3A_92 = %scan3A_41, %scan3A_93 = %scan3A_42, %scan3A_94 = %scan3A_43, %scan3A_95 = %scan3A_44) -> (vector<16xf32>, vector<16xf32>, vector<16xf32>, vector<16xf32>)  : i32 {
        %get3A = arith.index_cast %scan3A_91 : i32 to index
        %get3A_96 = arith.constant 0 : index
        %get3A_97 = tpu.vector_load %arg9[%get3A, %get3A_96] {strides = array<i32>} : memref<32x256xi32, #tpu.memory_space<vmem>>, vector<1x16xi32>,
        %get3A_98 = vector.shape_cast %get3A_97 : vector<1x16xi32> to vector<16xi32>
        %shift_left3A = arith.shli %get3A_98, %broadcast_in_dim3A_7 : vector<16xi32>
        %bitcast_convert_type3A = tpu.bitcast %shift_left3A : vector<16xi32> -> vector<16xf32>
        %and3A = arith.andi %get3A_98, %broadcast_in_dim3A_5 : vector<16xi32>
        %bitcast_convert_type3A_99 = tpu.bitcast %and3A : vector<16xi32> -> vector<16xf32>
        %get3A_100 = arith.index_cast %scan3A_91 : i32 to index
        %get3A_101 = arith.constant 0 : index
        %get3A_102 = tpu.vector_load %arg11[%get3A_100, %get3A_101] {strides = array<i32>} : memref<32x256xi32, #tpu.memory_space<vmem>>, vector<1x16xi32>,
        %get3A_103 = vector.shape_cast %get3A_102 : vector<1x16xi32> to vector<16xi32>
        %shift_left3A_104 = arith.shli %get3A_103, %broadcast_in_dim3A_7 : vector<16xi32>
        %bitcast_convert_type3A_105 = tpu.bitcast %shift_left3A_104 : vector<16xi32> -> vector<16xf32>
        %and3A_106 = arith.andi %get3A_103, %broadcast_in_dim3A_5 : vector<16xi32>
        %bitcast_convert_type3A_107 = tpu.bitcast %and3A_106 : vector<16xi32> -> vector<16xf32>
        %sub3A = arith.subf %bitcast_convert_type3A_105, %bitcast_convert_type3A : vector<16xf32>
        %abs3A = math.absf %sub3A : vector<16xf32>
        %add3A_108 = arith.addf %scan3A_92, %abs3A : vector<16xf32>
        %sub3A_109 = arith.subf %bitcast_convert_type3A_107, %bitcast_convert_type3A_99 : vector<16xf32>
        %abs3A_110 = math.absf %sub3A_109 : vector<16xf32>
        %add3A_111 = arith.addf %scan3A_93, %abs3A_110 : vector<16xf32>
        %get3A_112 = arith.index_cast %scan3A_91 : i32 to index
        %get3A_113 = arith.constant 16 : index
        %get3A_114 = tpu.vector_load %arg9[%get3A_112, %get3A_113] {strides = array<i32>} : memref<32x256xi32, #tpu.memory_space<vmem>>, vector<1x16xi32>,
        %get3A_115 = vector.shape_cast %get3A_114 : vector<1x16xi32> to vector<16xi32>
        %shift_left3A_116 = arith.shli %get3A_115, %broadcast_in_dim3A_7 : vector<16xi32>
        %bitcast_convert_type3A_117 = tpu.bitcast %shift_left3A_116 : vector<16xi32> -> vector<16xf32>
        %and3A_118 = arith.andi %get3A_115, %broadcast_in_dim3A_5 : vector<16xi32>
        %bitcast_convert_type3A_119 = tpu.bitcast %and3A_118 : vector<16xi32> -> vector<16xf32>
        %get3A_120 = arith.index_cast %scan3A_91 : i32 to index
        %get3A_121 = arith.constant 16 : index
        %get3A_122 = tpu.vector_load %arg11[%get3A_120, %get3A_121] {strides = array<i32>} : memref<32x256xi32, #tpu.memory_space<vmem>>, vector<1x16xi32>,
        %get3A_123 = vector.shape_cast %get3A_122 : vector<1x16xi32> to vector<16xi32>
        %shift_left3A_124 = arith.shli %get3A_123, %broadcast_in_dim3A_7 : vector<16xi32>
        %bitcast_convert_type3A_125 = tpu.bitcast %shift_left3A_124 : vector<16xi32> -> vector<16xf32>
        %and3A_126 = arith.andi %get3A_123, %broadcast_in_dim3A_5 : vector<16xi32>
        %bitcast_convert_type3A_127 = tpu.bitcast %and3A_126 : vector<16xi32> -> vector<16xf32>
        %sub3A_128 = arith.subf %bitcast_convert_type3A_125, %bitcast_convert_type3A_117 : vector<16xf32>
        %abs3A_129 = math.absf %sub3A_128 : vector<16xf32>
        %add3A_130 = arith.addf %scan3A_94, %abs3A_129 : vector<16xf32>
        %sub3A_131 = arith.subf %bitcast_convert_type3A_127, %bitcast_convert_type3A_119 : vector<16xf32>
        %abs3A_132 = math.absf %sub3A_131 : vector<16xf32>
        %add3A_133 = arith.addf %scan3A_95, %abs3A_132 : vector<16xf32>
        %get3A_134 = arith.index_cast %scan3A_91 : i32 to index
        %get3A_135 = arith.constant 32 : index
        %get3A_136 = tpu.vector_load %arg9[%get3A_134, %get3A_135] {strides = array<i32>} : memref<32x256xi32, #tpu.memory_space<vmem>>, vector<1x16xi32>,
        %get3A_137 = vector.shape_cast %get3A_136 : vector<1x16xi32> to vector<16xi32>
        %shift_left3A_138 = arith.shli %get3A_137, %broadcast_in_dim3A_7 : vector<16xi32>
        %bitcast_convert_type3A_139 = tpu.bitcast %shift_left3A_138 : vector<16xi32> -> vector<16xf32>
        %and3A_140 = arith.andi %get3A_137, %broadcast_in_dim3A_5 : vector<16xi32>
        %bitcast_convert_type3A_141 = tpu.bitcast %and3A_140 : vector<16xi32> -> vector<16xf32>
        %get3A_142 = arith.index_cast %scan3A_91 : i32 to index
        %get3A_143 = arith.constant 32 : index
        %get3A_144 = tpu.vector_load %arg11[%get3A_142, %get3A_143] {strides = array<i32>} : memref<32x256xi32, #tpu.memory_space<vmem>>, vector<1x16xi32>,
        %get3A_145 = vector.shape_cast %get3A_144 : vector<1x16xi32> to vector<16xi32>
        %shift_left3A_146 = arith.shli %get3A_145, %broadcast_in_dim3A_7 : vector<16xi32>
        %bitcast_convert_type3A_147 = tpu.bitcast %shift_left3A_146 : vector<16xi32> -> vector<16xf32>
        %and3A_148 = arith.andi %get3A_145, %broadcast_in_dim3A_5 : vector<16xi32>
        %bitcast_convert_type3A_149 = tpu.bitcast %and3A_148 : vector<16xi32> -> vector<16xf32>
        %sub3A_150 = arith.subf %bitcast_convert_type3A_147, %bitcast_convert_type3A_139 : vector<16xf32>
        %abs3A_151 = math.absf %sub3A_150 : vector<16xf32>
        %add3A_152 = arith.addf %add3A_108, %abs3A_151 : vector<16xf32>
        %sub3A_153 = arith.subf %bitcast_convert_type3A_149, %bitcast_convert_type3A_141 : vector<16xf32>
        %abs3A_154 = math.absf %sub3A_153 : vector<16xf32>
        %add3A_155 = arith.addf %add3A_111, %abs3A_154 : vector<16xf32>
        %get3A_156 = arith.index_cast %scan3A_91 : i32 to index
        %get3A_157 = arith.constant 48 : index
        %get3A_158 = tpu.vector_load %arg9[%get3A_156, %get3A_157] {strides = array<i32>} : memref<32x256xi32, #tpu.memory_space<vmem>>, vector<1x16xi32>,
        %get3A_159 = vector.shape_cast %get3A_158 : vector<1x16xi32> to vector<16xi32>
        %shift_left3A_160 = arith.shli %get3A_159, %broadcast_in_dim3A_7 : vector<16xi32>
        %bitcast_convert_type3A_161 = tpu.bitcast %shift_left3A_160 : vector<16xi32> -> vector<16xf32>
        %and3A_162 = arith.andi %get3A_159, %broadcast_in_dim3A_5 : vector<16xi32>
        %bitcast_convert_type3A_163 = tpu.bitcast %and3A_162 : vector<16xi32> -> vector<16xf32>
        %get3A_164 = arith.index_cast %scan3A_91 : i32 to index
        %get3A_165 = arith.constant 48 : index
        %get3A_166 = tpu.vector_load %arg11[%get3A_164, %get3A_165] {strides = array<i32>} : memref<32x256xi32, #tpu.memory_space<vmem>>, vector<1x16xi32>,
        %get3A_167 = vector.shape_cast %get3A_166 : vector<1x16xi32> to vector<16xi32>
        %shift_left3A_168 = arith.shli %get3A_167, %broadcast_in_dim3A_7 : vector<16xi32>
        %bitcast_convert_type3A_169 = tpu.bitcast %shift_left3A_168 : vector<16xi32> -> vector<16xf32>
        %and3A_170 = arith.andi %get3A_167, %broadcast_in_dim3A_5 : vector<16xi32>
        %bitcast_convert_type3A_171 = tpu.bitcast %and3A_170 : vector<16xi32> -> vector<16xf32>
        %sub3A_172 = arith.subf %bitcast_convert_type3A_169, %bitcast_convert_type3A_161 : vector<16xf32>
        %abs3A_173 = math.absf %sub3A_172 : vector<16xf32>
        %add3A_174 = arith.addf %add3A_130, %abs3A_173 : vector<16xf32>
        %sub3A_175 = arith.subf %bitcast_convert_type3A_171, %bitcast_convert_type3A_163 : vector<16xf32>
        %abs3A_176 = math.absf %sub3A_175 : vector<16xf32>
        %add3A_177 = arith.addf %add3A_133, %abs3A_176 : vector<16xf32>
        %get3A_178 = arith.index_cast %scan3A_91 : i32 to index
        %get3A_179 = arith.constant 64 : index
        %get3A_180 = tpu.vector_load %arg9[%get3A_178, %get3A_179] {strides = array<i32>} : memref<32x256xi32, #tpu.memory_space<vmem>>, vector<1x16xi32>,
        %get3A_181 = vector.shape_cast %get3A_180 : vector<1x16xi32> to vector<16xi32>
        %shift_left3A_182 = arith.shli %get3A_181, %broadcast_in_dim3A_7 : vector<16xi32>
        %bitcast_convert_type3A_183 = tpu.bitcast %shift_left3A_182 : vector<16xi32> -> vector<16xf32>
        %and3A_184 = arith.andi %get3A_181, %broadcast_in_dim3A_5 : vector<16xi32>
        %bitcast_convert_type3A_185 = tpu.bitcast %and3A_184 : vector<16xi32> -> vector<16xf32>
        %get3A_186 = arith.index_cast %scan3A_91 : i32 to index
        %get3A_187 = arith.constant 64 : index
        %get3A_188 = tpu.vector_load %arg11[%get3A_186, %get3A_187] {strides = array<i32>} : memref<32x256xi32, #tpu.memory_space<vmem>>, vector<1x16xi32>,
        %get3A_189 = vector.shape_cast %get3A_188 : vector<1x16xi32> to vector<16xi32>
        %shift_left3A_190 = arith.shli %get3A_189, %broadcast_in_dim3A_7 : vector<16xi32>
        %bitcast_convert_type3A_191 = tpu.bitcast %shift_left3A_190 : vector<16xi32> -> vector<16xf32>
        %and3A_192 = arith.andi %get3A_189, %broadcast_in_dim3A_5 : vector<16xi32>
        %bitcast_convert_type3A_193 = tpu.bitcast %and3A_192 : vector<16xi32> -> vector<16xf32>
        %sub3A_194 = arith.subf %bitcast_convert_type3A_191, %bitcast_convert_type3A_183 : vector<16xf32>
        %abs3A_195 = math.absf %sub3A_194 : vector<16xf32>
        %add3A_196 = arith.addf %add3A_152, %abs3A_195 : vector<16xf32>
        %sub3A_197 = arith.subf %bitcast_convert_type3A_193, %bitcast_convert_type3A_185 : vector<16xf32>
        %abs3A_198 = math.absf %sub3A_197 : vector<16xf32>
        %add3A_199 = arith.addf %add3A_155, %abs3A_198 : vector<16xf32>
        %get3A_200 = arith.index_cast %scan3A_91 : i32 to index
        %get3A_201 = arith.constant 80 : index
        %get3A_202 = tpu.vector_load %arg9[%get3A_200, %get3A_201] {strides = array<i32>} : memref<32x256xi32, #tpu.memory_space<vmem>>, vector<1x16xi32>,
        %get3A_203 = vector.shape_cast %get3A_202 : vector<1x16xi32> to vector<16xi32>
        %shift_left3A_204 = arith.shli %get3A_203, %broadcast_in_dim3A_7 : vector<16xi32>
        %bitcast_convert_type3A_205 = tpu.bitcast %shift_left3A_204 : vector<16xi32> -> vector<16xf32>
        %and3A_206 = arith.andi %get3A_203, %broadcast_in_dim3A_5 : vector<16xi32>
        %bitcast_convert_type3A_207 = tpu.bitcast %and3A_206 : vector<16xi32> -> vector<16xf32>
        %get3A_208 = arith.index_cast %scan3A_91 : i32 to index
        %get3A_209 = arith.constant 80 : index
        %get3A_210 = tpu.vector_load %arg11[%get3A_208, %get3A_209] {strides = array<i32>} : memref<32x256xi32, #tpu.memory_space<vmem>>, vector<1x16xi32>,
        %get3A_211 = vector.shape_cast %get3A_210 : vector<1x16xi32> to vector<16xi32>
        %shift_left3A_212 = arith.shli %get3A_211, %broadcast_in_dim3A_7 : vector<16xi32>
        %bitcast_convert_type3A_213 = tpu.bitcast %shift_left3A_212 : vector<16xi32> -> vector<16xf32>
        %and3A_214 = arith.andi %get3A_211, %broadcast_in_dim3A_5 : vector<16xi32>
        %bitcast_convert_type3A_215 = tpu.bitcast %and3A_214 : vector<16xi32> -> vector<16xf32>
        %sub3A_216 = arith.subf %bitcast_convert_type3A_213, %bitcast_convert_type3A_205 : vector<16xf32>
        %abs3A_217 = math.absf %sub3A_216 : vector<16xf32>
        %add3A_218 = arith.addf %add3A_174, %abs3A_217 : vector<16xf32>
        %sub3A_219 = arith.subf %bitcast_convert_type3A_215, %bitcast_convert_type3A_207 : vector<16xf32>
        %abs3A_220 = math.absf %sub3A_219 : vector<16xf32>
        %add3A_221 = arith.addf %add3A_177, %abs3A_220 : vector<16xf32>
        %get3A_222 = arith.index_cast %scan3A_91 : i32 to index
        %get3A_223 = arith.constant 96 : index
        %get3A_224 = tpu.vector_load %arg9[%get3A_222, %get3A_223] {strides = array<i32>} : memref<32x256xi32, #tpu.memory_space<vmem>>, vector<1x16xi32>,
        %get3A_225 = vector.shape_cast %get3A_224 : vector<1x16xi32> to vector<16xi32>
        %shift_left3A_226 = arith.shli %get3A_225, %broadcast_in_dim3A_7 : vector<16xi32>
        %bitcast_convert_type3A_227 = tpu.bitcast %shift_left3A_226 : vector<16xi32> -> vector<16xf32>
        %and3A_228 = arith.andi %get3A_225, %broadcast_in_dim3A_5 : vector<16xi32>
        %bitcast_convert_type3A_229 = tpu.bitcast %and3A_228 : vector<16xi32> -> vector<16xf32>
        %get3A_230 = arith.index_cast %scan3A_91 : i32 to index
        %get3A_231 = arith.constant 96 : index
        %get3A_232 = tpu.vector_load %arg11[%get3A_230, %get3A_231] {strides = array<i32>} : memref<32x256xi32, #tpu.memory_space<vmem>>, vector<1x16xi32>,
        %get3A_233 = vector.shape_cast %get3A_232 : vector<1x16xi32> to vector<16xi32>
        %shift_left3A_234 = arith.shli %get3A_233, %broadcast_in_dim3A_7 : vector<16xi32>
        %bitcast_convert_type3A_235 = tpu.bitcast %shift_left3A_234 : vector<16xi32> -> vector<16xf32>
        %and3A_236 = arith.andi %get3A_233, %broadcast_in_dim3A_5 : vector<16xi32>
        %bitcast_convert_type3A_237 = tpu.bitcast %and3A_236 : vector<16xi32> -> vector<16xf32>
        %sub3A_238 = arith.subf %bitcast_convert_type3A_235, %bitcast_convert_type3A_227 : vector<16xf32>
        %abs3A_239 = math.absf %sub3A_238 : vector<16xf32>
        %add3A_240 = arith.addf %add3A_196, %abs3A_239 : vector<16xf32>
        %sub3A_241 = arith.subf %bitcast_convert_type3A_237, %bitcast_convert_type3A_229 : vector<16xf32>
        %abs3A_242 = math.absf %sub3A_241 : vector<16xf32>
        %add3A_243 = arith.addf %add3A_199, %abs3A_242 : vector<16xf32>
        %get3A_244 = arith.index_cast %scan3A_91 : i32 to index
        %get3A_245 = arith.constant 112 : index
        %get3A_246 = tpu.vector_load %arg9[%get3A_244, %get3A_245] {strides = array<i32>} : memref<32x256xi32, #tpu.memory_space<vmem>>, vector<1x16xi32>,
        %get3A_247 = vector.shape_cast %get3A_246 : vector<1x16xi32> to vector<16xi32>
        %shift_left3A_248 = arith.shli %get3A_247, %broadcast_in_dim3A_7 : vector<16xi32>
        %bitcast_convert_type3A_249 = tpu.bitcast %shift_left3A_248 : vector<16xi32> -> vector<16xf32>
        %and3A_250 = arith.andi %get3A_247, %broadcast_in_dim3A_5 : vector<16xi32>
        %bitcast_convert_type3A_251 = tpu.bitcast %and3A_250 : vector<16xi32> -> vector<16xf32>
        %get3A_252 = arith.index_cast %scan3A_91 : i32 to index
        %get3A_253 = arith.constant 112 : index
        %get3A_254 = tpu.vector_load %arg11[%get3A_252, %get3A_253] {strides = array<i32>} : memref<32x256xi32, #tpu.memory_space<vmem>>, vector<1x16xi32>,
        %get3A_255 = vector.shape_cast %get3A_254 : vector<1x16xi32> to vector<16xi32>
        %shift_left3A_256 = arith.shli %get3A_255, %broadcast_in_dim3A_7 : vector<16xi32>
        %bitcast_convert_type3A_257 = tpu.bitcast %shift_left3A_256 : vector<16xi32> -> vector<16xf32>
        %and3A_258 = arith.andi %get3A_255, %broadcast_in_dim3A_5 : vector<16xi32>
        %bitcast_convert_type3A_259 = tpu.bitcast %and3A_258 : vector<16xi32> -> vector<16xf32>
        %sub3A_260 = arith.subf %bitcast_convert_type3A_257, %bitcast_convert_type3A_249 : vector<16xf32>
        %abs3A_261 = math.absf %sub3A_260 : vector<16xf32>
        %add3A_262 = arith.addf %add3A_218, %abs3A_261 : vector<16xf32>
        %sub3A_263 = arith.subf %bitcast_convert_type3A_259, %bitcast_convert_type3A_251 : vector<16xf32>
        %abs3A_264 = math.absf %sub3A_263 : vector<16xf32>
        %add3A_265 = arith.addf %add3A_221, %abs3A_264 : vector<16xf32>
        %get3A_266 = arith.index_cast %scan3A_91 : i32 to index
        %get3A_267 = arith.constant 128 : index
        %get3A_268 = tpu.vector_load %arg9[%get3A_266, %get3A_267] {strides = array<i32>} : memref<32x256xi32, #tpu.memory_space<vmem>>, vector<1x16xi32>,
        %get3A_269 = vector.shape_cast %get3A_268 : vector<1x16xi32> to vector<16xi32>
        %shift_left3A_270 = arith.shli %get3A_269, %broadcast_in_dim3A_7 : vector<16xi32>
        %bitcast_convert_type3A_271 = tpu.bitcast %shift_left3A_270 : vector<16xi32> -> vector<16xf32>
        %and3A_272 = arith.andi %get3A_269, %broadcast_in_dim3A_5 : vector<16xi32>
        %bitcast_convert_type3A_273 = tpu.bitcast %and3A_272 : vector<16xi32> -> vector<16xf32>
        %get3A_274 = arith.index_cast %scan3A_91 : i32 to index
        %get3A_275 = arith.constant 128 : index
        %get3A_276 = tpu.vector_load %arg11[%get3A_274, %get3A_275] {strides = array<i32>} : memref<32x256xi32, #tpu.memory_space<vmem>>, vector<1x16xi32>,
        %get3A_277 = vector.shape_cast %get3A_276 : vector<1x16xi32> to vector<16xi32>
        %shift_left3A_278 = arith.shli %get3A_277, %broadcast_in_dim3A_7 : vector<16xi32>
        %bitcast_convert_type3A_279 = tpu.bitcast %shift_left3A_278 : vector<16xi32> -> vector<16xf32>
        %and3A_280 = arith.andi %get3A_277, %broadcast_in_dim3A_5 : vector<16xi32>
        %bitcast_convert_type3A_281 = tpu.bitcast %and3A_280 : vector<16xi32> -> vector<16xf32>
        %sub3A_282 = arith.subf %bitcast_convert_type3A_279, %bitcast_convert_type3A_271 : vector<16xf32>
        %abs3A_283 = math.absf %sub3A_282 : vector<16xf32>
        %add3A_284 = arith.addf %add3A_240, %abs3A_283 : vector<16xf32>
        %sub3A_285 = arith.subf %bitcast_convert_type3A_281, %bitcast_convert_type3A_273 : vector<16xf32>
        %abs3A_286 = math.absf %sub3A_285 : vector<16xf32>
        %add3A_287 = arith.addf %add3A_243, %abs3A_286 : vector<16xf32>
        %get3A_288 = arith.index_cast %scan3A_91 : i32 to index
        %get3A_289 = arith.constant 144 : index
        %get3A_290 = tpu.vector_load %arg9[%get3A_288, %get3A_289] {strides = array<i32>} : memref<32x256xi32, #tpu.memory_space<vmem>>, vector<1x16xi32>,
        %get3A_291 = vector.shape_cast %get3A_290 : vector<1x16xi32> to vector<16xi32>
        %shift_left3A_292 = arith.shli %get3A_291, %broadcast_in_dim3A_7 : vector<16xi32>
        %bitcast_convert_type3A_293 = tpu.bitcast %shift_left3A_292 : vector<16xi32> -> vector<16xf32>
        %and3A_294 = arith.andi %get3A_291, %broadcast_in_dim3A_5 : vector<16xi32>
        %bitcast_convert_type3A_295 = tpu.bitcast %and3A_294 : vector<16xi32> -> vector<16xf32>
        %get3A_296 = arith.index_cast %scan3A_91 : i32 to index
        %get3A_297 = arith.constant 144 : index
        %get3A_298 = tpu.vector_load %arg11[%get3A_296, %get3A_297] {strides = array<i32>} : memref<32x256xi32, #tpu.memory_space<vmem>>, vector<1x16xi32>,
        %get3A_299 = vector.shape_cast %get3A_298 : vector<1x16xi32> to vector<16xi32>
        %shift_left3A_300 = arith.shli %get3A_299, %broadcast_in_dim3A_7 : vector<16xi32>
        %bitcast_convert_type3A_301 = tpu.bitcast %shift_left3A_300 : vector<16xi32> -> vector<16xf32>
        %and3A_302 = arith.andi %get3A_299, %broadcast_in_dim3A_5 : vector<16xi32>
        %bitcast_convert_type3A_303 = tpu.bitcast %and3A_302 : vector<16xi32> -> vector<16xf32>
        %sub3A_304 = arith.subf %bitcast_convert_type3A_301, %bitcast_convert_type3A_293 : vector<16xf32>
        %abs3A_305 = math.absf %sub3A_304 : vector<16xf32>
        %add3A_306 = arith.addf %add3A_262, %abs3A_305 : vector<16xf32>
        %sub3A_307 = arith.subf %bitcast_convert_type3A_303, %bitcast_convert_type3A_295 : vector<16xf32>
        %abs3A_308 = math.absf %sub3A_307 : vector<16xf32>
        %add3A_309 = arith.addf %add3A_265, %abs3A_308 : vector<16xf32>
        %get3A_310 = arith.index_cast %scan3A_91 : i32 to index
        %get3A_311 = arith.constant 160 : index
        %get3A_312 = tpu.vector_load %arg9[%get3A_310, %get3A_311] {strides = array<i32>} : memref<32x256xi32, #tpu.memory_space<vmem>>, vector<1x16xi32>,
        %get3A_313 = vector.shape_cast %get3A_312 : vector<1x16xi32> to vector<16xi32>
        %shift_left3A_314 = arith.shli %get3A_313, %broadcast_in_dim3A_7 : vector<16xi32>
        %bitcast_convert_type3A_315 = tpu.bitcast %shift_left3A_314 : vector<16xi32> -> vector<16xf32>
        %and3A_316 = arith.andi %get3A_313, %broadcast_in_dim3A_5 : vector<16xi32>
        %bitcast_convert_type3A_317 = tpu.bitcast %and3A_316 : vector<16xi32> -> vector<16xf32>
        %get3A_318 = arith.index_cast %scan3A_91 : i32 to index
        %get3A_319 = arith.constant 160 : index
        %get3A_320 = tpu.vector_load %arg11[%get3A_318, %get3A_319] {strides = array<i32>} : memref<32x256xi32, #tpu.memory_space<vmem>>, vector<1x16xi32>,
        %get3A_321 = vector.shape_cast %get3A_320 : vector<1x16xi32> to vector<16xi32>
        %shift_left3A_322 = arith.shli %get3A_321, %broadcast_in_dim3A_7 : vector<16xi32>
        %bitcast_convert_type3A_323 = tpu.bitcast %shift_left3A_322 : vector<16xi32> -> vector<16xf32>
        %and3A_324 = arith.andi %get3A_321, %broadcast_in_dim3A_5 : vector<16xi32>
        %bitcast_convert_type3A_325 = tpu.bitcast %and3A_324 : vector<16xi32> -> vector<16xf32>
        %sub3A_326 = arith.subf %bitcast_convert_type3A_323, %bitcast_convert_type3A_315 : vector<16xf32>
        %abs3A_327 = math.absf %sub3A_326 : vector<16xf32>
        %add3A_328 = arith.addf %add3A_284, %abs3A_327 : vector<16xf32>
        %sub3A_329 = arith.subf %bitcast_convert_type3A_325, %bitcast_convert_type3A_317 : vector<16xf32>
        %abs3A_330 = math.absf %sub3A_329 : vector<16xf32>
        %add3A_331 = arith.addf %add3A_287, %abs3A_330 : vector<16xf32>
        %get3A_332 = arith.index_cast %scan3A_91 : i32 to index
        %get3A_333 = arith.constant 176 : index
        %get3A_334 = tpu.vector_load %arg9[%get3A_332, %get3A_333] {strides = array<i32>} : memref<32x256xi32, #tpu.memory_space<vmem>>, vector<1x16xi32>,
        %get3A_335 = vector.shape_cast %get3A_334 : vector<1x16xi32> to vector<16xi32>
        %shift_left3A_336 = arith.shli %get3A_335, %broadcast_in_dim3A_7 : vector<16xi32>
        %bitcast_convert_type3A_337 = tpu.bitcast %shift_left3A_336 : vector<16xi32> -> vector<16xf32>
        %and3A_338 = arith.andi %get3A_335, %broadcast_in_dim3A_5 : vector<16xi32>
        %bitcast_convert_type3A_339 = tpu.bitcast %and3A_338 : vector<16xi32> -> vector<16xf32>
        %get3A_340 = arith.index_cast %scan3A_91 : i32 to index
        %get3A_341 = arith.constant 176 : index
        %get3A_342 = tpu.vector_load %arg11[%get3A_340, %get3A_341] {strides = array<i32>} : memref<32x256xi32, #tpu.memory_space<vmem>>, vector<1x16xi32>,
        %get3A_343 = vector.shape_cast %get3A_342 : vector<1x16xi32> to vector<16xi32>
        %shift_left3A_344 = arith.shli %get3A_343, %broadcast_in_dim3A_7 : vector<16xi32>
        %bitcast_convert_type3A_345 = tpu.bitcast %shift_left3A_344 : vector<16xi32> -> vector<16xf32>
        %and3A_346 = arith.andi %get3A_343, %broadcast_in_dim3A_5 : vector<16xi32>
        %bitcast_convert_type3A_347 = tpu.bitcast %and3A_346 : vector<16xi32> -> vector<16xf32>
        %sub3A_348 = arith.subf %bitcast_convert_type3A_345, %bitcast_convert_type3A_337 : vector<16xf32>
        %abs3A_349 = math.absf %sub3A_348 : vector<16xf32>
        %add3A_350 = arith.addf %add3A_306, %abs3A_349 : vector<16xf32>
        %sub3A_351 = arith.subf %bitcast_convert_type3A_347, %bitcast_convert_type3A_339 : vector<16xf32>
        %abs3A_352 = math.absf %sub3A_351 : vector<16xf32>
        %add3A_353 = arith.addf %add3A_309, %abs3A_352 : vector<16xf32>
        %get3A_354 = arith.index_cast %scan3A_91 : i32 to index
        %get3A_355 = arith.constant 192 : index
        %get3A_356 = tpu.vector_load %arg9[%get3A_354, %get3A_355] {strides = array<i32>} : memref<32x256xi32, #tpu.memory_space<vmem>>, vector<1x16xi32>,
        %get3A_357 = vector.shape_cast %get3A_356 : vector<1x16xi32> to vector<16xi32>
        %shift_left3A_358 = arith.shli %get3A_357, %broadcast_in_dim3A_7 : vector<16xi32>
        %bitcast_convert_type3A_359 = tpu.bitcast %shift_left3A_358 : vector<16xi32> -> vector<16xf32>
        %and3A_360 = arith.andi %get3A_357, %broadcast_in_dim3A_5 : vector<16xi32>
        %bitcast_convert_type3A_361 = tpu.bitcast %and3A_360 : vector<16xi32> -> vector<16xf32>
        %get3A_362 = arith.index_cast %scan3A_91 : i32 to index
        %get3A_363 = arith.constant 192 : index
        %get3A_364 = tpu.vector_load %arg11[%get3A_362, %get3A_363] {strides = array<i32>} : memref<32x256xi32, #tpu.memory_space<vmem>>, vector<1x16xi32>,
        %get3A_365 = vector.shape_cast %get3A_364 : vector<1x16xi32> to vector<16xi32>
        %shift_left3A_366 = arith.shli %get3A_365, %broadcast_in_dim3A_7 : vector<16xi32>
        %bitcast_convert_type3A_367 = tpu.bitcast %shift_left3A_366 : vector<16xi32> -> vector<16xf32>
        %and3A_368 = arith.andi %get3A_365, %broadcast_in_dim3A_5 : vector<16xi32>
        %bitcast_convert_type3A_369 = tpu.bitcast %and3A_368 : vector<16xi32> -> vector<16xf32>
        %sub3A_370 = arith.subf %bitcast_convert_type3A_367, %bitcast_convert_type3A_359 : vector<16xf32>
        %abs3A_371 = math.absf %sub3A_370 : vector<16xf32>
        %add3A_372 = arith.addf %add3A_328, %abs3A_371 : vector<16xf32>
        %sub3A_373 = arith.subf %bitcast_convert_type3A_369, %bitcast_convert_type3A_361 : vector<16xf32>
        %abs3A_374 = math.absf %sub3A_373 : vector<16xf32>
        %add3A_375 = arith.addf %add3A_331, %abs3A_374 : vector<16xf32>
        %get3A_376 = arith.index_cast %scan3A_91 : i32 to index
        %get3A_377 = arith.constant 208 : index
        %get3A_378 = tpu.vector_load %arg9[%get3A_376, %get3A_377] {strides = array<i32>} : memref<32x256xi32, #tpu.memory_space<vmem>>, vector<1x16xi32>,
        %get3A_379 = vector.shape_cast %get3A_378 : vector<1x16xi32> to vector<16xi32>
        %shift_left3A_380 = arith.shli %get3A_379, %broadcast_in_dim3A_7 : vector<16xi32>
        %bitcast_convert_type3A_381 = tpu.bitcast %shift_left3A_380 : vector<16xi32> -> vector<16xf32>
        %and3A_382 = arith.andi %get3A_379, %broadcast_in_dim3A_5 : vector<16xi32>
        %bitcast_convert_type3A_383 = tpu.bitcast %and3A_382 : vector<16xi32> -> vector<16xf32>
        %get3A_384 = arith.index_cast %scan3A_91 : i32 to index
        %get3A_385 = arith.constant 208 : index
        %get3A_386 = tpu.vector_load %arg11[%get3A_384, %get3A_385] {strides = array<i32>} : memref<32x256xi32, #tpu.memory_space<vmem>>, vector<1x16xi32>,
        %get3A_387 = vector.shape_cast %get3A_386 : vector<1x16xi32> to vector<16xi32>
        %shift_left3A_388 = arith.shli %get3A_387, %broadcast_in_dim3A_7 : vector<16xi32>
        %bitcast_convert_type3A_389 = tpu.bitcast %shift_left3A_388 : vector<16xi32> -> vector<16xf32>
        %and3A_390 = arith.andi %get3A_387, %broadcast_in_dim3A_5 : vector<16xi32>
        %bitcast_convert_type3A_391 = tpu.bitcast %and3A_390 : vector<16xi32> -> vector<16xf32>
        %sub3A_392 = arith.subf %bitcast_convert_type3A_389, %bitcast_convert_type3A_381 : vector<16xf32>
        %abs3A_393 = math.absf %sub3A_392 : vector<16xf32>
        %add3A_394 = arith.addf %add3A_350, %abs3A_393 : vector<16xf32>
        %sub3A_395 = arith.subf %bitcast_convert_type3A_391, %bitcast_convert_type3A_383 : vector<16xf32>
        %abs3A_396 = math.absf %sub3A_395 : vector<16xf32>
        %add3A_397 = arith.addf %add3A_353, %abs3A_396 : vector<16xf32>
        %get3A_398 = arith.index_cast %scan3A_91 : i32 to index
        %get3A_399 = arith.constant 224 : index
        %get3A_400 = tpu.vector_load %arg9[%get3A_398, %get3A_399] {strides = array<i32>} : memref<32x256xi32, #tpu.memory_space<vmem>>, vector<1x16xi32>,
        %get3A_401 = vector.shape_cast %get3A_400 : vector<1x16xi32> to vector<16xi32>
        %shift_left3A_402 = arith.shli %get3A_401, %broadcast_in_dim3A_7 : vector<16xi32>
        %bitcast_convert_type3A_403 = tpu.bitcast %shift_left3A_402 : vector<16xi32> -> vector<16xf32>
        %and3A_404 = arith.andi %get3A_401, %broadcast_in_dim3A_5 : vector<16xi32>
        %bitcast_convert_type3A_405 = tpu.bitcast %and3A_404 : vector<16xi32> -> vector<16xf32>
        %get3A_406 = arith.index_cast %scan3A_91 : i32 to index
        %get3A_407 = arith.constant 224 : index
        %get3A_408 = tpu.vector_load %arg11[%get3A_406, %get3A_407] {strides = array<i32>} : memref<32x256xi32, #tpu.memory_space<vmem>>, vector<1x16xi32>,
        %get3A_409 = vector.shape_cast %get3A_408 : vector<1x16xi32> to vector<16xi32>
        %shift_left3A_410 = arith.shli %get3A_409, %broadcast_in_dim3A_7 : vector<16xi32>
        %bitcast_convert_type3A_411 = tpu.bitcast %shift_left3A_410 : vector<16xi32> -> vector<16xf32>
        %and3A_412 = arith.andi %get3A_409, %broadcast_in_dim3A_5 : vector<16xi32>
        %bitcast_convert_type3A_413 = tpu.bitcast %and3A_412 : vector<16xi32> -> vector<16xf32>
        %sub3A_414 = arith.subf %bitcast_convert_type3A_411, %bitcast_convert_type3A_403 : vector<16xf32>
        %abs3A_415 = math.absf %sub3A_414 : vector<16xf32>
        %add3A_416 = arith.addf %add3A_372, %abs3A_415 : vector<16xf32>
        %sub3A_417 = arith.subf %bitcast_convert_type3A_413, %bitcast_convert_type3A_405 : vector<16xf32>
        %abs3A_418 = math.absf %sub3A_417 : vector<16xf32>
        %add3A_419 = arith.addf %add3A_375, %abs3A_418 : vector<16xf32>
        %get3A_420 = arith.index_cast %scan3A_91 : i32 to index
        %get3A_421 = arith.constant 240 : index
        %get3A_422 = tpu.vector_load %arg9[%get3A_420, %get3A_421] {strides = array<i32>} : memref<32x256xi32, #tpu.memory_space<vmem>>, vector<1x16xi32>,
        %get3A_423 = vector.shape_cast %get3A_422 : vector<1x16xi32> to vector<16xi32>
        %shift_left3A_424 = arith.shli %get3A_423, %broadcast_in_dim3A_7 : vector<16xi32>
        %bitcast_convert_type3A_425 = tpu.bitcast %shift_left3A_424 : vector<16xi32> -> vector<16xf32>
        %and3A_426 = arith.andi %get3A_423, %broadcast_in_dim3A_5 : vector<16xi32>
        %bitcast_convert_type3A_427 = tpu.bitcast %and3A_426 : vector<16xi32> -> vector<16xf32>
        %get3A_428 = arith.index_cast %scan3A_91 : i32 to index
        %get3A_429 = arith.constant 240 : index
        %get3A_430 = tpu.vector_load %arg11[%get3A_428, %get3A_429] {strides = array<i32>} : memref<32x256xi32, #tpu.memory_space<vmem>>, vector<1x16xi32>,
        %get3A_431 = vector.shape_cast %get3A_430 : vector<1x16xi32> to vector<16xi32>
        %shift_left3A_432 = arith.shli %get3A_431, %broadcast_in_dim3A_7 : vector<16xi32>
        %bitcast_convert_type3A_433 = tpu.bitcast %shift_left3A_432 : vector<16xi32> -> vector<16xf32>
        %and3A_434 = arith.andi %get3A_431, %broadcast_in_dim3A_5 : vector<16xi32>
        %bitcast_convert_type3A_435 = tpu.bitcast %and3A_434 : vector<16xi32> -> vector<16xf32>
        %sub3A_436 = arith.subf %bitcast_convert_type3A_433, %bitcast_convert_type3A_425 : vector<16xf32>
        %abs3A_437 = math.absf %sub3A_436 : vector<16xf32>
        %add3A_438 = arith.addf %add3A_394, %abs3A_437 : vector<16xf32>
        %sub3A_439 = arith.subf %bitcast_convert_type3A_435, %bitcast_convert_type3A_427 : vector<16xf32>
        %abs3A_440 = math.absf %sub3A_439 : vector<16xf32>
        %add3A_441 = arith.addf %add3A_397, %abs3A_440 : vector<16xf32>
        scf.yield %add3A_416, %add3A_419, %add3A_438, %add3A_441 : vector<16xf32>, vector<16xf32>, vector<16xf32>, vector<16xf32>
      }
      %scan3A_61 = arith.constant 32 : i32
      %add3A_62 = arith.constant 1 : i32
      %add3A_63 = arith.addi %scan3A_40, %add3A_62 : i32
      %lt3A = arith.constant 4 : i32
      %lt3A_64 = arith.cmpi slt, %add3A_63, %lt3A : i32
      %convert_element_type3A = arith.extui %lt3A_64 : i1 to i32
      %cond3A = arith.constant 0 : i32
      %cond3A_65 = arith.cmpi ne, %convert_element_type3A, %cond3A : i32
      scf.if %cond3A_65 {
        %mul3A_91 = arith.constant 2 : i32
        %mul3A_92 = arith.muli %mul3A_91, %scan3A_40 : i32
        %add3A_93 = arith.constant 2 : i32
        %add3A_94 = arith.addi %mul3A_92, %add3A_93 : i32
        %add3A_95 = arith.constant 0 : i32
        %add3A_96 = arith.addi %add3A_94, %add3A_95 : i32
        %mul3A_97 = arith.constant 32 : i32
        %mul3A_98 = arith.muli %add3A_96, %mul3A_97 : i32
        %multiple_of3A = tpu.assume_multiple %mul3A_98, 32 : i32
        %dma_start3A_99 = tpu.memref_slice %arg7[%multiple_of3A] : memref<256xi32, #tpu.memory_space<vmem>> -> memref<32xi32, #tpu.memory_space<vmem>>
        %dma_start3A_100 = arith.constant 0 : i32
        %dma_start3A_101 = arith.constant 0 : i32
        %dma_start3A_102 = tpu.memref_slice %arg2[%dma_start3A_100, %dma_start3A_101] : memref<512x256xi32, #tpu.memory_space<hbm>> -> memref<512x256xi32, #tpu.memory_space<hbm>>
        tpu.enqueue_indirect_dma source(%dma_start3A_102 : memref<512x256xi32, #tpu.memory_space<hbm>>) target(%arg9 : memref<32x256xi32, #tpu.memory_space<vmem>>) offsets(%dma_start3A_99 : memref<32xi32, #tpu.memory_space<vmem>>) semaphore(%arg14 : memref<!tpu.dma_semaphore, #tpu.memory_space<semaphore_mem>>)
        %dma_start3A_103 = tpu.memref_slice %arg8[%multiple_of3A] : memref<256xi32, #tpu.memory_space<vmem>> -> memref<32xi32, #tpu.memory_space<vmem>>
        %dma_start3A_104 = arith.constant 0 : i32
        %dma_start3A_105 = arith.constant 0 : i32
        %dma_start3A_106 = tpu.memref_slice %arg3[%dma_start3A_104, %dma_start3A_105] : memref<512x256xi32, #tpu.memory_space<hbm>> -> memref<512x256xi32, #tpu.memory_space<hbm>>
        tpu.enqueue_indirect_dma source(%dma_start3A_106 : memref<512x256xi32, #tpu.memory_space<hbm>>) target(%arg11 : memref<32x256xi32, #tpu.memory_space<vmem>>) offsets(%dma_start3A_103 : memref<32xi32, #tpu.memory_space<vmem>>) semaphore(%arg16 : memref<!tpu.dma_semaphore, #tpu.memory_space<semaphore_mem>>)
      } else {
      }
      %dma_wait3A_66 = arith.constant 0 : i32
      %dma_wait3A_67 = arith.constant 0 : i32
      %dma_wait3A_68 = tpu.memref_slice %arg2[%dma_wait3A_66, %dma_wait3A_67] : memref<512x256xi32, #tpu.memory_space<hbm>> -> memref<32x256xi32, #tpu.memory_space<hbm>>
      %dma_wait3A_69 = arith.constant 0 : i32
      %dma_wait3A_70 = arith.constant 0 : i32
      %dma_wait3A_71 = tpu.memref_slice %arg2[%dma_wait3A_69, %dma_wait3A_70] : memref<512x256xi32, #tpu.memory_space<hbm>> -> memref<32x256xi32, #tpu.memory_space<hbm>>
      tpu.wait_dma2 semaphore(%arg15 : memref<!tpu.dma_semaphore, #tpu.memory_space<semaphore_mem>>) src(%dma_wait3A_71 : memref<32x256xi32, #tpu.memory_space<hbm>>) dst(%arg10 : memref<32x256xi32, #tpu.memory_space<vmem>>)
      %dma_wait3A_72 = arith.constant 0 : i32
      %dma_wait3A_73 = arith.constant 0 : i32
      %dma_wait3A_74 = tpu.memref_slice %arg3[%dma_wait3A_72, %dma_wait3A_73] : memref<512x256xi32, #tpu.memory_space<hbm>> -> memref<32x256xi32, #tpu.memory_space<hbm>>
      %dma_wait3A_75 = arith.constant 0 : i32
      %dma_wait3A_76 = arith.constant 0 : i32
      %dma_wait3A_77 = tpu.memref_slice %arg3[%dma_wait3A_75, %dma_wait3A_76] : memref<512x256xi32, #tpu.memory_space<hbm>> -> memref<32x256xi32, #tpu.memory_space<hbm>>
      tpu.wait_dma2 semaphore(%arg17 : memref<!tpu.dma_semaphore, #tpu.memory_space<semaphore_mem>>) src(%dma_wait3A_77 : memref<32x256xi32, #tpu.memory_space<hbm>>) dst(%arg12 : memref<32x256xi32, #tpu.memory_space<vmem>>)
      %scan3A_78 = arith.constant 0 : i32
      %scan3A_79 = arith.constant 32 : i32
      %scan3A_80 = arith.addi %scan3A_78, %scan3A_79 : i32
      %scan3A_81 = arith.constant 1 : i32
      %scan3A_82:4 = scf.for %scan3A_91 = %scan3A_78 to %scan3A_80 step %scan3A_81 iter_args(%scan3A_92 = %scan3A_60#0, %scan3A_93 = %scan3A_60#1, %scan3A_94 = %scan3A_60#2, %scan3A_95 = %scan3A_60#3) -> (vector<16xf32>, vector<16xf32>, vector<16xf32>, vector<16xf32>)  : i32 {
        %get3A = arith.index_cast %scan3A_91 : i32 to index
        %get3A_96 = arith.constant 0 : index
        %get3A_97 = tpu.vector_load %arg10[%get3A, %get3A_96] {strides = array<i32>} : memref<32x256xi32, #tpu.memory_space<vmem>>, vector<1x16xi32>,
        %get3A_98 = vector.shape_cast %get3A_97 : vector<1x16xi32> to vector<16xi32>
        %shift_left3A = arith.shli %get3A_98, %broadcast_in_dim3A_7 : vector<16xi32>
        %bitcast_convert_type3A = tpu.bitcast %shift_left3A : vector<16xi32> -> vector<16xf32>
        %and3A = arith.andi %get3A_98, %broadcast_in_dim3A_5 : vector<16xi32>
        %bitcast_convert_type3A_99 = tpu.bitcast %and3A : vector<16xi32> -> vector<16xf32>
        %get3A_100 = arith.index_cast %scan3A_91 : i32 to index
        %get3A_101 = arith.constant 0 : index
        %get3A_102 = tpu.vector_load %arg12[%get3A_100, %get3A_101] {strides = array<i32>} : memref<32x256xi32, #tpu.memory_space<vmem>>, vector<1x16xi32>,
        %get3A_103 = vector.shape_cast %get3A_102 : vector<1x16xi32> to vector<16xi32>
        %shift_left3A_104 = arith.shli %get3A_103, %broadcast_in_dim3A_7 : vector<16xi32>
        %bitcast_convert_type3A_105 = tpu.bitcast %shift_left3A_104 : vector<16xi32> -> vector<16xf32>
        %and3A_106 = arith.andi %get3A_103, %broadcast_in_dim3A_5 : vector<16xi32>
        %bitcast_convert_type3A_107 = tpu.bitcast %and3A_106 : vector<16xi32> -> vector<16xf32>
        %sub3A = arith.subf %bitcast_convert_type3A_105, %bitcast_convert_type3A : vector<16xf32>
        %abs3A = math.absf %sub3A : vector<16xf32>
        %add3A_108 = arith.addf %scan3A_92, %abs3A : vector<16xf32>
        %sub3A_109 = arith.subf %bitcast_convert_type3A_107, %bitcast_convert_type3A_99 : vector<16xf32>
        %abs3A_110 = math.absf %sub3A_109 : vector<16xf32>
        %add3A_111 = arith.addf %scan3A_93, %abs3A_110 : vector<16xf32>
        %get3A_112 = arith.index_cast %scan3A_91 : i32 to index
        %get3A_113 = arith.constant 16 : index
        %get3A_114 = tpu.vector_load %arg10[%get3A_112, %get3A_113] {strides = array<i32>} : memref<32x256xi32, #tpu.memory_space<vmem>>, vector<1x16xi32>,
        %get3A_115 = vector.shape_cast %get3A_114 : vector<1x16xi32> to vector<16xi32>
        %shift_left3A_116 = arith.shli %get3A_115, %broadcast_in_dim3A_7 : vector<16xi32>
        %bitcast_convert_type3A_117 = tpu.bitcast %shift_left3A_116 : vector<16xi32> -> vector<16xf32>
        %and3A_118 = arith.andi %get3A_115, %broadcast_in_dim3A_5 : vector<16xi32>
        %bitcast_convert_type3A_119 = tpu.bitcast %and3A_118 : vector<16xi32> -> vector<16xf32>
        %get3A_120 = arith.index_cast %scan3A_91 : i32 to index
        %get3A_121 = arith.constant 16 : index
        %get3A_122 = tpu.vector_load %arg12[%get3A_120, %get3A_121] {strides = array<i32>} : memref<32x256xi32, #tpu.memory_space<vmem>>, vector<1x16xi32>,
        %get3A_123 = vector.shape_cast %get3A_122 : vector<1x16xi32> to vector<16xi32>
        %shift_left3A_124 = arith.shli %get3A_123, %broadcast_in_dim3A_7 : vector<16xi32>
        %bitcast_convert_type3A_125 = tpu.bitcast %shift_left3A_124 : vector<16xi32> -> vector<16xf32>
        %and3A_126 = arith.andi %get3A_123, %broadcast_in_dim3A_5 : vector<16xi32>
        %bitcast_convert_type3A_127 = tpu.bitcast %and3A_126 : vector<16xi32> -> vector<16xf32>
        %sub3A_128 = arith.subf %bitcast_convert_type3A_125, %bitcast_convert_type3A_117 : vector<16xf32>
        %abs3A_129 = math.absf %sub3A_128 : vector<16xf32>
        %add3A_130 = arith.addf %scan3A_94, %abs3A_129 : vector<16xf32>
        %sub3A_131 = arith.subf %bitcast_convert_type3A_127, %bitcast_convert_type3A_119 : vector<16xf32>
        %abs3A_132 = math.absf %sub3A_131 : vector<16xf32>
        %add3A_133 = arith.addf %scan3A_95, %abs3A_132 : vector<16xf32>
        %get3A_134 = arith.index_cast %scan3A_91 : i32 to index
        %get3A_135 = arith.constant 32 : index
        %get3A_136 = tpu.vector_load %arg10[%get3A_134, %get3A_135] {strides = array<i32>} : memref<32x256xi32, #tpu.memory_space<vmem>>, vector<1x16xi32>,
        %get3A_137 = vector.shape_cast %get3A_136 : vector<1x16xi32> to vector<16xi32>
        %shift_left3A_138 = arith.shli %get3A_137, %broadcast_in_dim3A_7 : vector<16xi32>
        %bitcast_convert_type3A_139 = tpu.bitcast %shift_left3A_138 : vector<16xi32> -> vector<16xf32>
        %and3A_140 = arith.andi %get3A_137, %broadcast_in_dim3A_5 : vector<16xi32>
        %bitcast_convert_type3A_141 = tpu.bitcast %and3A_140 : vector<16xi32> -> vector<16xf32>
        %get3A_142 = arith.index_cast %scan3A_91 : i32 to index
        %get3A_143 = arith.constant 32 : index
        %get3A_144 = tpu.vector_load %arg12[%get3A_142, %get3A_143] {strides = array<i32>} : memref<32x256xi32, #tpu.memory_space<vmem>>, vector<1x16xi32>,
        %get3A_145 = vector.shape_cast %get3A_144 : vector<1x16xi32> to vector<16xi32>
        %shift_left3A_146 = arith.shli %get3A_145, %broadcast_in_dim3A_7 : vector<16xi32>
        %bitcast_convert_type3A_147 = tpu.bitcast %shift_left3A_146 : vector<16xi32> -> vector<16xf32>
        %and3A_148 = arith.andi %get3A_145, %broadcast_in_dim3A_5 : vector<16xi32>
        %bitcast_convert_type3A_149 = tpu.bitcast %and3A_148 : vector<16xi32> -> vector<16xf32>
        %sub3A_150 = arith.subf %bitcast_convert_type3A_147, %bitcast_convert_type3A_139 : vector<16xf32>
        %abs3A_151 = math.absf %sub3A_150 : vector<16xf32>
        %add3A_152 = arith.addf %add3A_108, %abs3A_151 : vector<16xf32>
        %sub3A_153 = arith.subf %bitcast_convert_type3A_149, %bitcast_convert_type3A_141 : vector<16xf32>
        %abs3A_154 = math.absf %sub3A_153 : vector<16xf32>
        %add3A_155 = arith.addf %add3A_111, %abs3A_154 : vector<16xf32>
        %get3A_156 = arith.index_cast %scan3A_91 : i32 to index
        %get3A_157 = arith.constant 48 : index
        %get3A_158 = tpu.vector_load %arg10[%get3A_156, %get3A_157] {strides = array<i32>} : memref<32x256xi32, #tpu.memory_space<vmem>>, vector<1x16xi32>,
        %get3A_159 = vector.shape_cast %get3A_158 : vector<1x16xi32> to vector<16xi32>
        %shift_left3A_160 = arith.shli %get3A_159, %broadcast_in_dim3A_7 : vector<16xi32>
        %bitcast_convert_type3A_161 = tpu.bitcast %shift_left3A_160 : vector<16xi32> -> vector<16xf32>
        %and3A_162 = arith.andi %get3A_159, %broadcast_in_dim3A_5 : vector<16xi32>
        %bitcast_convert_type3A_163 = tpu.bitcast %and3A_162 : vector<16xi32> -> vector<16xf32>
        %get3A_164 = arith.index_cast %scan3A_91 : i32 to index
        %get3A_165 = arith.constant 48 : index
        %get3A_166 = tpu.vector_load %arg12[%get3A_164, %get3A_165] {strides = array<i32>} : memref<32x256xi32, #tpu.memory_space<vmem>>, vector<1x16xi32>,
        %get3A_167 = vector.shape_cast %get3A_166 : vector<1x16xi32> to vector<16xi32>
        %shift_left3A_168 = arith.shli %get3A_167, %broadcast_in_dim3A_7 : vector<16xi32>
        %bitcast_convert_type3A_169 = tpu.bitcast %shift_left3A_168 : vector<16xi32> -> vector<16xf32>
        %and3A_170 = arith.andi %get3A_167, %broadcast_in_dim3A_5 : vector<16xi32>
        %bitcast_convert_type3A_171 = tpu.bitcast %and3A_170 : vector<16xi32> -> vector<16xf32>
        %sub3A_172 = arith.subf %bitcast_convert_type3A_169, %bitcast_convert_type3A_161 : vector<16xf32>
        %abs3A_173 = math.absf %sub3A_172 : vector<16xf32>
        %add3A_174 = arith.addf %add3A_130, %abs3A_173 : vector<16xf32>
        %sub3A_175 = arith.subf %bitcast_convert_type3A_171, %bitcast_convert_type3A_163 : vector<16xf32>
        %abs3A_176 = math.absf %sub3A_175 : vector<16xf32>
        %add3A_177 = arith.addf %add3A_133, %abs3A_176 : vector<16xf32>
        %get3A_178 = arith.index_cast %scan3A_91 : i32 to index
        %get3A_179 = arith.constant 64 : index
        %get3A_180 = tpu.vector_load %arg10[%get3A_178, %get3A_179] {strides = array<i32>} : memref<32x256xi32, #tpu.memory_space<vmem>>, vector<1x16xi32>,
        %get3A_181 = vector.shape_cast %get3A_180 : vector<1x16xi32> to vector<16xi32>
        %shift_left3A_182 = arith.shli %get3A_181, %broadcast_in_dim3A_7 : vector<16xi32>
        %bitcast_convert_type3A_183 = tpu.bitcast %shift_left3A_182 : vector<16xi32> -> vector<16xf32>
        %and3A_184 = arith.andi %get3A_181, %broadcast_in_dim3A_5 : vector<16xi32>
        %bitcast_convert_type3A_185 = tpu.bitcast %and3A_184 : vector<16xi32> -> vector<16xf32>
        %get3A_186 = arith.index_cast %scan3A_91 : i32 to index
        %get3A_187 = arith.constant 64 : index
        %get3A_188 = tpu.vector_load %arg12[%get3A_186, %get3A_187] {strides = array<i32>} : memref<32x256xi32, #tpu.memory_space<vmem>>, vector<1x16xi32>,
        %get3A_189 = vector.shape_cast %get3A_188 : vector<1x16xi32> to vector<16xi32>
        %shift_left3A_190 = arith.shli %get3A_189, %broadcast_in_dim3A_7 : vector<16xi32>
        %bitcast_convert_type3A_191 = tpu.bitcast %shift_left3A_190 : vector<16xi32> -> vector<16xf32>
        %and3A_192 = arith.andi %get3A_189, %broadcast_in_dim3A_5 : vector<16xi32>
        %bitcast_convert_type3A_193 = tpu.bitcast %and3A_192 : vector<16xi32> -> vector<16xf32>
        %sub3A_194 = arith.subf %bitcast_convert_type3A_191, %bitcast_convert_type3A_183 : vector<16xf32>
        %abs3A_195 = math.absf %sub3A_194 : vector<16xf32>
        %add3A_196 = arith.addf %add3A_152, %abs3A_195 : vector<16xf32>
        %sub3A_197 = arith.subf %bitcast_convert_type3A_193, %bitcast_convert_type3A_185 : vector<16xf32>
        %abs3A_198 = math.absf %sub3A_197 : vector<16xf32>
        %add3A_199 = arith.addf %add3A_155, %abs3A_198 : vector<16xf32>
        %get3A_200 = arith.index_cast %scan3A_91 : i32 to index
        %get3A_201 = arith.constant 80 : index
        %get3A_202 = tpu.vector_load %arg10[%get3A_200, %get3A_201] {strides = array<i32>} : memref<32x256xi32, #tpu.memory_space<vmem>>, vector<1x16xi32>,
        %get3A_203 = vector.shape_cast %get3A_202 : vector<1x16xi32> to vector<16xi32>
        %shift_left3A_204 = arith.shli %get3A_203, %broadcast_in_dim3A_7 : vector<16xi32>
        %bitcast_convert_type3A_205 = tpu.bitcast %shift_left3A_204 : vector<16xi32> -> vector<16xf32>
        %and3A_206 = arith.andi %get3A_203, %broadcast_in_dim3A_5 : vector<16xi32>
        %bitcast_convert_type3A_207 = tpu.bitcast %and3A_206 : vector<16xi32> -> vector<16xf32>
        %get3A_208 = arith.index_cast %scan3A_91 : i32 to index
        %get3A_209 = arith.constant 80 : index
        %get3A_210 = tpu.vector_load %arg12[%get3A_208, %get3A_209] {strides = array<i32>} : memref<32x256xi32, #tpu.memory_space<vmem>>, vector<1x16xi32>,
        %get3A_211 = vector.shape_cast %get3A_210 : vector<1x16xi32> to vector<16xi32>
        %shift_left3A_212 = arith.shli %get3A_211, %broadcast_in_dim3A_7 : vector<16xi32>
        %bitcast_convert_type3A_213 = tpu.bitcast %shift_left3A_212 : vector<16xi32> -> vector<16xf32>
        %and3A_214 = arith.andi %get3A_211, %broadcast_in_dim3A_5 : vector<16xi32>
        %bitcast_convert_type3A_215 = tpu.bitcast %and3A_214 : vector<16xi32> -> vector<16xf32>
        %sub3A_216 = arith.subf %bitcast_convert_type3A_213, %bitcast_convert_type3A_205 : vector<16xf32>
        %abs3A_217 = math.absf %sub3A_216 : vector<16xf32>
        %add3A_218 = arith.addf %add3A_174, %abs3A_217 : vector<16xf32>
        %sub3A_219 = arith.subf %bitcast_convert_type3A_215, %bitcast_convert_type3A_207 : vector<16xf32>
        %abs3A_220 = math.absf %sub3A_219 : vector<16xf32>
        %add3A_221 = arith.addf %add3A_177, %abs3A_220 : vector<16xf32>
        %get3A_222 = arith.index_cast %scan3A_91 : i32 to index
        %get3A_223 = arith.constant 96 : index
        %get3A_224 = tpu.vector_load %arg10[%get3A_222, %get3A_223] {strides = array<i32>} : memref<32x256xi32, #tpu.memory_space<vmem>>, vector<1x16xi32>,
        %get3A_225 = vector.shape_cast %get3A_224 : vector<1x16xi32> to vector<16xi32>
        %shift_left3A_226 = arith.shli %get3A_225, %broadcast_in_dim3A_7 : vector<16xi32>
        %bitcast_convert_type3A_227 = tpu.bitcast %shift_left3A_226 : vector<16xi32> -> vector<16xf32>
        %and3A_228 = arith.andi %get3A_225, %broadcast_in_dim3A_5 : vector<16xi32>
        %bitcast_convert_type3A_229 = tpu.bitcast %and3A_228 : vector<16xi32> -> vector<16xf32>
        %get3A_230 = arith.index_cast %scan3A_91 : i32 to index
        %get3A_231 = arith.constant 96 : index
        %get3A_232 = tpu.vector_load %arg12[%get3A_230, %get3A_231] {strides = array<i32>} : memref<32x256xi32, #tpu.memory_space<vmem>>, vector<1x16xi32>,
        %get3A_233 = vector.shape_cast %get3A_232 : vector<1x16xi32> to vector<16xi32>
        %shift_left3A_234 = arith.shli %get3A_233, %broadcast_in_dim3A_7 : vector<16xi32>
        %bitcast_convert_type3A_235 = tpu.bitcast %shift_left3A_234 : vector<16xi32> -> vector<16xf32>
        %and3A_236 = arith.andi %get3A_233, %broadcast_in_dim3A_5 : vector<16xi32>
        %bitcast_convert_type3A_237 = tpu.bitcast %and3A_236 : vector<16xi32> -> vector<16xf32>
        %sub3A_238 = arith.subf %bitcast_convert_type3A_235, %bitcast_convert_type3A_227 : vector<16xf32>
        %abs3A_239 = math.absf %sub3A_238 : vector<16xf32>
        %add3A_240 = arith.addf %add3A_196, %abs3A_239 : vector<16xf32>
        %sub3A_241 = arith.subf %bitcast_convert_type3A_237, %bitcast_convert_type3A_229 : vector<16xf32>
        %abs3A_242 = math.absf %sub3A_241 : vector<16xf32>
        %add3A_243 = arith.addf %add3A_199, %abs3A_242 : vector<16xf32>
        %get3A_244 = arith.index_cast %scan3A_91 : i32 to index
        %get3A_245 = arith.constant 112 : index
        %get3A_246 = tpu.vector_load %arg10[%get3A_244, %get3A_245] {strides = array<i32>} : memref<32x256xi32, #tpu.memory_space<vmem>>, vector<1x16xi32>,
        %get3A_247 = vector.shape_cast %get3A_246 : vector<1x16xi32> to vector<16xi32>
        %shift_left3A_248 = arith.shli %get3A_247, %broadcast_in_dim3A_7 : vector<16xi32>
        %bitcast_convert_type3A_249 = tpu.bitcast %shift_left3A_248 : vector<16xi32> -> vector<16xf32>
        %and3A_250 = arith.andi %get3A_247, %broadcast_in_dim3A_5 : vector<16xi32>
        %bitcast_convert_type3A_251 = tpu.bitcast %and3A_250 : vector<16xi32> -> vector<16xf32>
        %get3A_252 = arith.index_cast %scan3A_91 : i32 to index
        %get3A_253 = arith.constant 112 : index
        %get3A_254 = tpu.vector_load %arg12[%get3A_252, %get3A_253] {strides = array<i32>} : memref<32x256xi32, #tpu.memory_space<vmem>>, vector<1x16xi32>,
        %get3A_255 = vector.shape_cast %get3A_254 : vector<1x16xi32> to vector<16xi32>
        %shift_left3A_256 = arith.shli %get3A_255, %broadcast_in_dim3A_7 : vector<16xi32>
        %bitcast_convert_type3A_257 = tpu.bitcast %shift_left3A_256 : vector<16xi32> -> vector<16xf32>
        %and3A_258 = arith.andi %get3A_255, %broadcast_in_dim3A_5 : vector<16xi32>
        %bitcast_convert_type3A_259 = tpu.bitcast %and3A_258 : vector<16xi32> -> vector<16xf32>
        %sub3A_260 = arith.subf %bitcast_convert_type3A_257, %bitcast_convert_type3A_249 : vector<16xf32>
        %abs3A_261 = math.absf %sub3A_260 : vector<16xf32>
        %add3A_262 = arith.addf %add3A_218, %abs3A_261 : vector<16xf32>
        %sub3A_263 = arith.subf %bitcast_convert_type3A_259, %bitcast_convert_type3A_251 : vector<16xf32>
        %abs3A_264 = math.absf %sub3A_263 : vector<16xf32>
        %add3A_265 = arith.addf %add3A_221, %abs3A_264 : vector<16xf32>
        %get3A_266 = arith.index_cast %scan3A_91 : i32 to index
        %get3A_267 = arith.constant 128 : index
        %get3A_268 = tpu.vector_load %arg10[%get3A_266, %get3A_267] {strides = array<i32>} : memref<32x256xi32, #tpu.memory_space<vmem>>, vector<1x16xi32>,
        %get3A_269 = vector.shape_cast %get3A_268 : vector<1x16xi32> to vector<16xi32>
        %shift_left3A_270 = arith.shli %get3A_269, %broadcast_in_dim3A_7 : vector<16xi32>
        %bitcast_convert_type3A_271 = tpu.bitcast %shift_left3A_270 : vector<16xi32> -> vector<16xf32>
        %and3A_272 = arith.andi %get3A_269, %broadcast_in_dim3A_5 : vector<16xi32>
        %bitcast_convert_type3A_273 = tpu.bitcast %and3A_272 : vector<16xi32> -> vector<16xf32>
        %get3A_274 = arith.index_cast %scan3A_91 : i32 to index
        %get3A_275 = arith.constant 128 : index
        %get3A_276 = tpu.vector_load %arg12[%get3A_274, %get3A_275] {strides = array<i32>} : memref<32x256xi32, #tpu.memory_space<vmem>>, vector<1x16xi32>,
        %get3A_277 = vector.shape_cast %get3A_276 : vector<1x16xi32> to vector<16xi32>
        %shift_left3A_278 = arith.shli %get3A_277, %broadcast_in_dim3A_7 : vector<16xi32>
        %bitcast_convert_type3A_279 = tpu.bitcast %shift_left3A_278 : vector<16xi32> -> vector<16xf32>
        %and3A_280 = arith.andi %get3A_277, %broadcast_in_dim3A_5 : vector<16xi32>
        %bitcast_convert_type3A_281 = tpu.bitcast %and3A_280 : vector<16xi32> -> vector<16xf32>
        %sub3A_282 = arith.subf %bitcast_convert_type3A_279, %bitcast_convert_type3A_271 : vector<16xf32>
        %abs3A_283 = math.absf %sub3A_282 : vector<16xf32>
        %add3A_284 = arith.addf %add3A_240, %abs3A_283 : vector<16xf32>
        %sub3A_285 = arith.subf %bitcast_convert_type3A_281, %bitcast_convert_type3A_273 : vector<16xf32>
        %abs3A_286 = math.absf %sub3A_285 : vector<16xf32>
        %add3A_287 = arith.addf %add3A_243, %abs3A_286 : vector<16xf32>
        %get3A_288 = arith.index_cast %scan3A_91 : i32 to index
        %get3A_289 = arith.constant 144 : index
        %get3A_290 = tpu.vector_load %arg10[%get3A_288, %get3A_289] {strides = array<i32>} : memref<32x256xi32, #tpu.memory_space<vmem>>, vector<1x16xi32>,
        %get3A_291 = vector.shape_cast %get3A_290 : vector<1x16xi32> to vector<16xi32>
        %shift_left3A_292 = arith.shli %get3A_291, %broadcast_in_dim3A_7 : vector<16xi32>
        %bitcast_convert_type3A_293 = tpu.bitcast %shift_left3A_292 : vector<16xi32> -> vector<16xf32>
        %and3A_294 = arith.andi %get3A_291, %broadcast_in_dim3A_5 : vector<16xi32>
        %bitcast_convert_type3A_295 = tpu.bitcast %and3A_294 : vector<16xi32> -> vector<16xf32>
        %get3A_296 = arith.index_cast %scan3A_91 : i32 to index
        %get3A_297 = arith.constant 144 : index
        %get3A_298 = tpu.vector_load %arg12[%get3A_296, %get3A_297] {strides = array<i32>} : memref<32x256xi32, #tpu.memory_space<vmem>>, vector<1x16xi32>,
        %get3A_299 = vector.shape_cast %get3A_298 : vector<1x16xi32> to vector<16xi32>
        %shift_left3A_300 = arith.shli %get3A_299, %broadcast_in_dim3A_7 : vector<16xi32>
        %bitcast_convert_type3A_301 = tpu.bitcast %shift_left3A_300 : vector<16xi32> -> vector<16xf32>
        %and3A_302 = arith.andi %get3A_299, %broadcast_in_dim3A_5 : vector<16xi32>
        %bitcast_convert_type3A_303 = tpu.bitcast %and3A_302 : vector<16xi32> -> vector<16xf32>
        %sub3A_304 = arith.subf %bitcast_convert_type3A_301, %bitcast_convert_type3A_293 : vector<16xf32>
        %abs3A_305 = math.absf %sub3A_304 : vector<16xf32>
        %add3A_306 = arith.addf %add3A_262, %abs3A_305 : vector<16xf32>
        %sub3A_307 = arith.subf %bitcast_convert_type3A_303, %bitcast_convert_type3A_295 : vector<16xf32>
        %abs3A_308 = math.absf %sub3A_307 : vector<16xf32>
        %add3A_309 = arith.addf %add3A_265, %abs3A_308 : vector<16xf32>
        %get3A_310 = arith.index_cast %scan3A_91 : i32 to index
        %get3A_311 = arith.constant 160 : index
        %get3A_312 = tpu.vector_load %arg10[%get3A_310, %get3A_311] {strides = array<i32>} : memref<32x256xi32, #tpu.memory_space<vmem>>, vector<1x16xi32>,
        %get3A_313 = vector.shape_cast %get3A_312 : vector<1x16xi32> to vector<16xi32>
        %shift_left3A_314 = arith.shli %get3A_313, %broadcast_in_dim3A_7 : vector<16xi32>
        %bitcast_convert_type3A_315 = tpu.bitcast %shift_left3A_314 : vector<16xi32> -> vector<16xf32>
        %and3A_316 = arith.andi %get3A_313, %broadcast_in_dim3A_5 : vector<16xi32>
        %bitcast_convert_type3A_317 = tpu.bitcast %and3A_316 : vector<16xi32> -> vector<16xf32>
        %get3A_318 = arith.index_cast %scan3A_91 : i32 to index
        %get3A_319 = arith.constant 160 : index
        %get3A_320 = tpu.vector_load %arg12[%get3A_318, %get3A_319] {strides = array<i32>} : memref<32x256xi32, #tpu.memory_space<vmem>>, vector<1x16xi32>,
        %get3A_321 = vector.shape_cast %get3A_320 : vector<1x16xi32> to vector<16xi32>
        %shift_left3A_322 = arith.shli %get3A_321, %broadcast_in_dim3A_7 : vector<16xi32>
        %bitcast_convert_type3A_323 = tpu.bitcast %shift_left3A_322 : vector<16xi32> -> vector<16xf32>
        %and3A_324 = arith.andi %get3A_321, %broadcast_in_dim3A_5 : vector<16xi32>
        %bitcast_convert_type3A_325 = tpu.bitcast %and3A_324 : vector<16xi32> -> vector<16xf32>
        %sub3A_326 = arith.subf %bitcast_convert_type3A_323, %bitcast_convert_type3A_315 : vector<16xf32>
        %abs3A_327 = math.absf %sub3A_326 : vector<16xf32>
        %add3A_328 = arith.addf %add3A_284, %abs3A_327 : vector<16xf32>
        %sub3A_329 = arith.subf %bitcast_convert_type3A_325, %bitcast_convert_type3A_317 : vector<16xf32>
        %abs3A_330 = math.absf %sub3A_329 : vector<16xf32>
        %add3A_331 = arith.addf %add3A_287, %abs3A_330 : vector<16xf32>
        %get3A_332 = arith.index_cast %scan3A_91 : i32 to index
        %get3A_333 = arith.constant 176 : index
        %get3A_334 = tpu.vector_load %arg10[%get3A_332, %get3A_333] {strides = array<i32>} : memref<32x256xi32, #tpu.memory_space<vmem>>, vector<1x16xi32>,
        %get3A_335 = vector.shape_cast %get3A_334 : vector<1x16xi32> to vector<16xi32>
        %shift_left3A_336 = arith.shli %get3A_335, %broadcast_in_dim3A_7 : vector<16xi32>
        %bitcast_convert_type3A_337 = tpu.bitcast %shift_left3A_336 : vector<16xi32> -> vector<16xf32>
        %and3A_338 = arith.andi %get3A_335, %broadcast_in_dim3A_5 : vector<16xi32>
        %bitcast_convert_type3A_339 = tpu.bitcast %and3A_338 : vector<16xi32> -> vector<16xf32>
        %get3A_340 = arith.index_cast %scan3A_91 : i32 to index
        %get3A_341 = arith.constant 176 : index
        %get3A_342 = tpu.vector_load %arg12[%get3A_340, %get3A_341] {strides = array<i32>} : memref<32x256xi32, #tpu.memory_space<vmem>>, vector<1x16xi32>,
        %get3A_343 = vector.shape_cast %get3A_342 : vector<1x16xi32> to vector<16xi32>
        %shift_left3A_344 = arith.shli %get3A_343, %broadcast_in_dim3A_7 : vector<16xi32>
        %bitcast_convert_type3A_345 = tpu.bitcast %shift_left3A_344 : vector<16xi32> -> vector<16xf32>
        %and3A_346 = arith.andi %get3A_343, %broadcast_in_dim3A_5 : vector<16xi32>
        %bitcast_convert_type3A_347 = tpu.bitcast %and3A_346 : vector<16xi32> -> vector<16xf32>
        %sub3A_348 = arith.subf %bitcast_convert_type3A_345, %bitcast_convert_type3A_337 : vector<16xf32>
        %abs3A_349 = math.absf %sub3A_348 : vector<16xf32>
        %add3A_350 = arith.addf %add3A_306, %abs3A_349 : vector<16xf32>
        %sub3A_351 = arith.subf %bitcast_convert_type3A_347, %bitcast_convert_type3A_339 : vector<16xf32>
        %abs3A_352 = math.absf %sub3A_351 : vector<16xf32>
        %add3A_353 = arith.addf %add3A_309, %abs3A_352 : vector<16xf32>
        %get3A_354 = arith.index_cast %scan3A_91 : i32 to index
        %get3A_355 = arith.constant 192 : index
        %get3A_356 = tpu.vector_load %arg10[%get3A_354, %get3A_355] {strides = array<i32>} : memref<32x256xi32, #tpu.memory_space<vmem>>, vector<1x16xi32>,
        %get3A_357 = vector.shape_cast %get3A_356 : vector<1x16xi32> to vector<16xi32>
        %shift_left3A_358 = arith.shli %get3A_357, %broadcast_in_dim3A_7 : vector<16xi32>
        %bitcast_convert_type3A_359 = tpu.bitcast %shift_left3A_358 : vector<16xi32> -> vector<16xf32>
        %and3A_360 = arith.andi %get3A_357, %broadcast_in_dim3A_5 : vector<16xi32>
        %bitcast_convert_type3A_361 = tpu.bitcast %and3A_360 : vector<16xi32> -> vector<16xf32>
        %get3A_362 = arith.index_cast %scan3A_91 : i32 to index
        %get3A_363 = arith.constant 192 : index
        %get3A_364 = tpu.vector_load %arg12[%get3A_362, %get3A_363] {strides = array<i32>} : memref<32x256xi32, #tpu.memory_space<vmem>>, vector<1x16xi32>,
        %get3A_365 = vector.shape_cast %get3A_364 : vector<1x16xi32> to vector<16xi32>
        %shift_left3A_366 = arith.shli %get3A_365, %broadcast_in_dim3A_7 : vector<16xi32>
        %bitcast_convert_type3A_367 = tpu.bitcast %shift_left3A_366 : vector<16xi32> -> vector<16xf32>
        %and3A_368 = arith.andi %get3A_365, %broadcast_in_dim3A_5 : vector<16xi32>
        %bitcast_convert_type3A_369 = tpu.bitcast %and3A_368 : vector<16xi32> -> vector<16xf32>
        %sub3A_370 = arith.subf %bitcast_convert_type3A_367, %bitcast_convert_type3A_359 : vector<16xf32>
        %abs3A_371 = math.absf %sub3A_370 : vector<16xf32>
        %add3A_372 = arith.addf %add3A_328, %abs3A_371 : vector<16xf32>
        %sub3A_373 = arith.subf %bitcast_convert_type3A_369, %bitcast_convert_type3A_361 : vector<16xf32>
        %abs3A_374 = math.absf %sub3A_373 : vector<16xf32>
        %add3A_375 = arith.addf %add3A_331, %abs3A_374 : vector<16xf32>
        %get3A_376 = arith.index_cast %scan3A_91 : i32 to index
        %get3A_377 = arith.constant 208 : index
        %get3A_378 = tpu.vector_load %arg10[%get3A_376, %get3A_377] {strides = array<i32>} : memref<32x256xi32, #tpu.memory_space<vmem>>, vector<1x16xi32>,
        %get3A_379 = vector.shape_cast %get3A_378 : vector<1x16xi32> to vector<16xi32>
        %shift_left3A_380 = arith.shli %get3A_379, %broadcast_in_dim3A_7 : vector<16xi32>
        %bitcast_convert_type3A_381 = tpu.bitcast %shift_left3A_380 : vector<16xi32> -> vector<16xf32>
        %and3A_382 = arith.andi %get3A_379, %broadcast_in_dim3A_5 : vector<16xi32>
        %bitcast_convert_type3A_383 = tpu.bitcast %and3A_382 : vector<16xi32> -> vector<16xf32>
        %get3A_384 = arith.index_cast %scan3A_91 : i32 to index
        %get3A_385 = arith.constant 208 : index
        %get3A_386 = tpu.vector_load %arg12[%get3A_384, %get3A_385] {strides = array<i32>} : memref<32x256xi32, #tpu.memory_space<vmem>>, vector<1x16xi32>,
        %get3A_387 = vector.shape_cast %get3A_386 : vector<1x16xi32> to vector<16xi32>
        %shift_left3A_388 = arith.shli %get3A_387, %broadcast_in_dim3A_7 : vector<16xi32>
        %bitcast_convert_type3A_389 = tpu.bitcast %shift_left3A_388 : vector<16xi32> -> vector<16xf32>
        %and3A_390 = arith.andi %get3A_387, %broadcast_in_dim3A_5 : vector<16xi32>
        %bitcast_convert_type3A_391 = tpu.bitcast %and3A_390 : vector<16xi32> -> vector<16xf32>
        %sub3A_392 = arith.subf %bitcast_convert_type3A_389, %bitcast_convert_type3A_381 : vector<16xf32>
        %abs3A_393 = math.absf %sub3A_392 : vector<16xf32>
        %add3A_394 = arith.addf %add3A_350, %abs3A_393 : vector<16xf32>
        %sub3A_395 = arith.subf %bitcast_convert_type3A_391, %bitcast_convert_type3A_383 : vector<16xf32>
        %abs3A_396 = math.absf %sub3A_395 : vector<16xf32>
        %add3A_397 = arith.addf %add3A_353, %abs3A_396 : vector<16xf32>
        %get3A_398 = arith.index_cast %scan3A_91 : i32 to index
        %get3A_399 = arith.constant 224 : index
        %get3A_400 = tpu.vector_load %arg10[%get3A_398, %get3A_399] {strides = array<i32>} : memref<32x256xi32, #tpu.memory_space<vmem>>, vector<1x16xi32>,
        %get3A_401 = vector.shape_cast %get3A_400 : vector<1x16xi32> to vector<16xi32>
        %shift_left3A_402 = arith.shli %get3A_401, %broadcast_in_dim3A_7 : vector<16xi32>
        %bitcast_convert_type3A_403 = tpu.bitcast %shift_left3A_402 : vector<16xi32> -> vector<16xf32>
        %and3A_404 = arith.andi %get3A_401, %broadcast_in_dim3A_5 : vector<16xi32>
        %bitcast_convert_type3A_405 = tpu.bitcast %and3A_404 : vector<16xi32> -> vector<16xf32>
        %get3A_406 = arith.index_cast %scan3A_91 : i32 to index
        %get3A_407 = arith.constant 224 : index
        %get3A_408 = tpu.vector_load %arg12[%get3A_406, %get3A_407] {strides = array<i32>} : memref<32x256xi32, #tpu.memory_space<vmem>>, vector<1x16xi32>,
        %get3A_409 = vector.shape_cast %get3A_408 : vector<1x16xi32> to vector<16xi32>
        %shift_left3A_410 = arith.shli %get3A_409, %broadcast_in_dim3A_7 : vector<16xi32>
        %bitcast_convert_type3A_411 = tpu.bitcast %shift_left3A_410 : vector<16xi32> -> vector<16xf32>
        %and3A_412 = arith.andi %get3A_409, %broadcast_in_dim3A_5 : vector<16xi32>
        %bitcast_convert_type3A_413 = tpu.bitcast %and3A_412 : vector<16xi32> -> vector<16xf32>
        %sub3A_414 = arith.subf %bitcast_convert_type3A_411, %bitcast_convert_type3A_403 : vector<16xf32>
        %abs3A_415 = math.absf %sub3A_414 : vector<16xf32>
        %add3A_416 = arith.addf %add3A_372, %abs3A_415 : vector<16xf32>
        %sub3A_417 = arith.subf %bitcast_convert_type3A_413, %bitcast_convert_type3A_405 : vector<16xf32>
        %abs3A_418 = math.absf %sub3A_417 : vector<16xf32>
        %add3A_419 = arith.addf %add3A_375, %abs3A_418 : vector<16xf32>
        %get3A_420 = arith.index_cast %scan3A_91 : i32 to index
        %get3A_421 = arith.constant 240 : index
        %get3A_422 = tpu.vector_load %arg10[%get3A_420, %get3A_421] {strides = array<i32>} : memref<32x256xi32, #tpu.memory_space<vmem>>, vector<1x16xi32>,
        %get3A_423 = vector.shape_cast %get3A_422 : vector<1x16xi32> to vector<16xi32>
        %shift_left3A_424 = arith.shli %get3A_423, %broadcast_in_dim3A_7 : vector<16xi32>
        %bitcast_convert_type3A_425 = tpu.bitcast %shift_left3A_424 : vector<16xi32> -> vector<16xf32>
        %and3A_426 = arith.andi %get3A_423, %broadcast_in_dim3A_5 : vector<16xi32>
        %bitcast_convert_type3A_427 = tpu.bitcast %and3A_426 : vector<16xi32> -> vector<16xf32>
        %get3A_428 = arith.index_cast %scan3A_91 : i32 to index
        %get3A_429 = arith.constant 240 : index
        %get3A_430 = tpu.vector_load %arg12[%get3A_428, %get3A_429] {strides = array<i32>} : memref<32x256xi32, #tpu.memory_space<vmem>>, vector<1x16xi32>,
        %get3A_431 = vector.shape_cast %get3A_430 : vector<1x16xi32> to vector<16xi32>
        %shift_left3A_432 = arith.shli %get3A_431, %broadcast_in_dim3A_7 : vector<16xi32>
        %bitcast_convert_type3A_433 = tpu.bitcast %shift_left3A_432 : vector<16xi32> -> vector<16xf32>
        %and3A_434 = arith.andi %get3A_431, %broadcast_in_dim3A_5 : vector<16xi32>
        %bitcast_convert_type3A_435 = tpu.bitcast %and3A_434 : vector<16xi32> -> vector<16xf32>
        %sub3A_436 = arith.subf %bitcast_convert_type3A_433, %bitcast_convert_type3A_425 : vector<16xf32>
        %abs3A_437 = math.absf %sub3A_436 : vector<16xf32>
        %add3A_438 = arith.addf %add3A_394, %abs3A_437 : vector<16xf32>
        %sub3A_439 = arith.subf %bitcast_convert_type3A_435, %bitcast_convert_type3A_427 : vector<16xf32>
        %abs3A_440 = math.absf %sub3A_439 : vector<16xf32>
        %add3A_441 = arith.addf %add3A_397, %abs3A_440 : vector<16xf32>
        scf.yield %add3A_416, %add3A_419, %add3A_438, %add3A_441 : vector<16xf32>, vector<16xf32>, vector<16xf32>, vector<16xf32>
      }
      %scan3A_83 = arith.constant 32 : i32
      %add3A_84 = arith.constant 1 : i32
      %add3A_85 = arith.addi %scan3A_40, %add3A_84 : i32
      %lt3A_86 = arith.constant 4 : i32
      %lt3A_87 = arith.cmpi slt, %add3A_85, %lt3A_86 : i32
      %convert_element_type3A_88 = arith.extui %lt3A_87 : i1 to i32
      %cond3A_89 = arith.constant 0 : i32
      %cond3A_90 = arith.cmpi ne, %convert_element_type3A_88, %cond3A_89 : i32
      scf.if %cond3A_90 {
        %mul3A_91 = arith.constant 2 : i32
        %mul3A_92 = arith.muli %mul3A_91, %scan3A_40 : i32
        %add3A_93 = arith.constant 2 : i32
        %add3A_94 = arith.addi %mul3A_92, %add3A_93 : i32
        %add3A_95 = arith.constant 1 : i32
        %add3A_96 = arith.addi %add3A_94, %add3A_95 : i32
        %mul3A_97 = arith.constant 32 : i32
        %mul3A_98 = arith.muli %add3A_96, %mul3A_97 : i32
        %multiple_of3A = tpu.assume_multiple %mul3A_98, 32 : i32
        %dma_start3A_99 = tpu.memref_slice %arg7[%multiple_of3A] : memref<256xi32, #tpu.memory_space<vmem>> -> memref<32xi32, #tpu.memory_space<vmem>>
        %dma_start3A_100 = arith.constant 0 : i32
        %dma_start3A_101 = arith.constant 0 : i32
        %dma_start3A_102 = tpu.memref_slice %arg2[%dma_start3A_100, %dma_start3A_101] : memref<512x256xi32, #tpu.memory_space<hbm>> -> memref<512x256xi32, #tpu.memory_space<hbm>>
        tpu.enqueue_indirect_dma source(%dma_start3A_102 : memref<512x256xi32, #tpu.memory_space<hbm>>) target(%arg10 : memref<32x256xi32, #tpu.memory_space<vmem>>) offsets(%dma_start3A_99 : memref<32xi32, #tpu.memory_space<vmem>>) semaphore(%arg15 : memref<!tpu.dma_semaphore, #tpu.memory_space<semaphore_mem>>)
        %dma_start3A_103 = tpu.memref_slice %arg8[%multiple_of3A] : memref<256xi32, #tpu.memory_space<vmem>> -> memref<32xi32, #tpu.memory_space<vmem>>
        %dma_start3A_104 = arith.constant 0 : i32
        %dma_start3A_105 = arith.constant 0 : i32
        %dma_start3A_106 = tpu.memref_slice %arg3[%dma_start3A_104, %dma_start3A_105] : memref<512x256xi32, #tpu.memory_space<hbm>> -> memref<512x256xi32, #tpu.memory_space<hbm>>
        tpu.enqueue_indirect_dma source(%dma_start3A_106 : memref<512x256xi32, #tpu.memory_space<hbm>>) target(%arg12 : memref<32x256xi32, #tpu.memory_space<vmem>>) offsets(%dma_start3A_103 : memref<32xi32, #tpu.memory_space<vmem>>) semaphore(%arg17 : memref<!tpu.dma_semaphore, #tpu.memory_space<semaphore_mem>>)
      } else {
      }
      scf.yield %scan3A_82#0, %scan3A_82#1, %scan3A_82#2, %scan3A_82#3 : vector<16xf32>, vector<16xf32>, vector<16xf32>, vector<16xf32>
    }
    %scan3A_33 = arith.constant 4 : i32
    %add3A_34 = arith.addf %scan3A_32#0, %scan3A_32#1 : vector<16xf32>
    %add3A_35 = arith.addf %scan3A_32#2, %scan3A_32#3 : vector<16xf32>
    %add3A_36 = arith.addf %add3A_34, %add3A_35 : vector<16xf32>
    %swap3A = arith.constant 0 : index
    %swap3A_37 = tpu.vector_load %arg13[%swap3A] {strides = array<i32>} : memref<16xf32, #tpu.memory_space<vmem>>, vector<16xf32>,
    %swap3A_38 = vector.shape_cast %swap3A_37 : vector<16xf32> to vector<16xf32>
    %swap3A_39 = vector.shape_cast %add3A_36 : vector<16xf32> to vector<16xf32>
    tpu.vector_store %arg13[%swap3A], %swap3A_39 {strides = array<i32>} : memref<16xf32, #tpu.memory_space<vmem>>, vector<16xf32>,
    "tpu.region"() ({
      %run_scoped3A = tpu.sem_alloc : memref<!tpu.dma_semaphore, #tpu.memory_space<semaphore_mem>>
      %dma_start3A_40 = arith.constant 0 : i32
      %dma_start3A_41 = tpu.memref_slice %arg6[%add3A, %dma_start3A_40] : memref<32x16xf32, #tpu.memory_space<hbm>> -> memref<1x16xf32, #tpu.memory_space<hbm>>
      %dma_start3A_42 = tpu.memref_squeeze %dma_start3A_41 : memref<1x16xf32, #tpu.memory_space<hbm>> -> memref<16xf32, #tpu.memory_space<hbm>>
      %dma_start3A_43 = arith.constant 0 : i32
      %dma_start3A_44 = tpu.memref_slice %arg6[%add3A, %dma_start3A_43] : memref<32x16xf32, #tpu.memory_space<hbm>> -> memref<1x16xf32, #tpu.memory_space<hbm>>
      %dma_start3A_45 = tpu.memref_squeeze %dma_start3A_44 : memref<1x16xf32, #tpu.memory_space<hbm>> -> memref<16xf32, #tpu.memory_space<hbm>>
      tpu.enqueue_dma source(%arg13 : memref<16xf32, #tpu.memory_space<vmem>>) target(%dma_start3A_45 : memref<16xf32, #tpu.memory_space<hbm>>) target_semaphore(%run_scoped3A : memref<!tpu.dma_semaphore, #tpu.memory_space<semaphore_mem>>)
      %dma_wait3A = arith.constant 0 : i32
      %dma_wait3A_46 = tpu.memref_slice %arg6[%add3A, %dma_wait3A] : memref<32x16xf32, #tpu.memory_space<hbm>> -> memref<1x16xf32, #tpu.memory_space<hbm>>
      %dma_wait3A_47 = tpu.memref_squeeze %dma_wait3A_46 : memref<1x16xf32, #tpu.memory_space<hbm>> -> memref<16xf32, #tpu.memory_space<hbm>>
      %dma_wait3A_48 = arith.constant 0 : i32
      %dma_wait3A_49 = tpu.memref_slice %arg6[%add3A, %dma_wait3A_48] : memref<32x16xf32, #tpu.memory_space<hbm>> -> memref<1x16xf32, #tpu.memory_space<hbm>>
      %dma_wait3A_50 = tpu.memref_squeeze %dma_wait3A_49 : memref<1x16xf32, #tpu.memory_space<hbm>> -> memref<16xf32, #tpu.memory_space<hbm>>
      tpu.wait_dma2 semaphore(%run_scoped3A : memref<!tpu.dma_semaphore, #tpu.memory_space<semaphore_mem>>) src(%arg13 : memref<16xf32, #tpu.memory_space<vmem>>) dst(%dma_wait3A_50 : memref<16xf32, #tpu.memory_space<hbm>>)
      tpu.yield
    }) : () -> ()
    return
  }
}

</mosaic_0001>

<sc_bundles>
// kernel: _sc_loss.3.cloned.1.call-start
scs
__scs_entry_jumppad:
0x0: {  	(pc) =	sbr.rel $0x88, $3  }
0x1: {  	(tag) =	ssettag $0x0;
	lr =	simm.s32 $0x1  }
0x2: {  	[smem:$0x3F9D] =	sst lr;
	_ =	strace $0xD0000000  }
0x3: {  	_ = 	snop  }
0x4: {  	_ = 	snop  }
0x5: {  	_ = 	snop  }
0x6: {  	_ = 	snop  }
0x7: {  	_ = 	snop  }
__scs_overlays_trampoline_lowered:
0x8: {  	[smem:$0x3FAC] =	sst s0  }
0x9: {  	[smem:$0x3FAD] =	sst s1  }
0xa: {  	[smem:$0x3FAE] =	sst s2  }
0xb: {  	[smem:$0x3FAF] =	sst s3  }
0xc: {  	[smem:$0x3FB0] =	sst s4  }
0xd: {  	[smem:$0x3FB1] =	sst s5  }
0xe: {  	[smem:$0x3FB2] =	sst s6  }
0xf: {  	[smem:$0x3FB3] =	sst s7  }
0x10: {  	[smem:$0x3FB4] =	sst s8  }
0x11: {  	[smem:$0x3FB5] =	sst s9;
	s0 =	simm.s32 @!p0 $0x0  }
0x12: {  	s1 =	sld [smem:$0x3F9B];
	s0 =	simm.s32 @p0 $0x1  }
0x13: {  	[smem:$0x3FB6] =	sst s0;
	s0 =	simm.s32 @!p1 $0x0  }
0x14: {  	s2 =	sld [smem:$0x3F9A];
	s0 =	simm.s32 @p1 $0x1  }
0x15: {  	[smem:$0x3FB7] =	sst s0;
	s0 =	simm.s32 @!p2 $0x0  }
0x16: {  	s3 =	sld [smem:$0x3FDB];
	s0 =	simm.s32 @p2 $0x1  }
0x17: {  	s4 =	simm.s32 $0x1BF5;
	[smem:$0x3FB9] =	sst s0  }
0x18: {  	s0 =	sld [smem:$0x3F9C];
	_ =	swait.ge [sflag:s4], $0x0  }
0x19: {  	s7 =	sld [smem:$0x3F9D]  }
0x1a: {  	s8 =	sadd.s32 $0xFFFFE003, lr  }
0x1b: {  	s9 =	sadd.s32 $0xFFFFFEF7, lr;
	s5 =	simm.s32 $0xFFFFFFFF;
	p2 =	slt.u32 s8, $0xFFFFF086  }
0x1c: {  	p1 =	slt.u32 s9, $0xF7A;
	s5 =	simm.s32 @!p2 $0x0  }
0x1d: {  	s5 =	simm.s32 @p1 $0x1;
	p0 =	seq.s32 s7, s2  }
0x1e: {  	s7 =	smul.u32 @!p0 $0xF7A, s2;
	p2 =	seq.s32 @!p0 s5, $0x0  }
0x1f: {  	s9 =	smul.u32 $0xF7A, s1;
	s8 =	simm.s32 @!p0 $0x1BF5;
	p2 =	por !p2, p0  }
0x20: {  	[sflag:s8] =	ssyncset.s32 @!p0 $0xFFFFF086;
	s6 =	sadd.s32 @!p0 s3, s7;
	s7 =	simm.s32 @!p0 $0x108  }
0x21: {  	s3 =	sadd.s32 s3, s9;
	s6 =	sadd.s32 @!p0 $0x88, s6;
	s7 =	simm.s32 @p2 $0x1082  }
0x22: {  	[simem:s7], [sflag:s8] =	dma.local @!p0 [hbm:s6], $0xF7A  }
0x23: {  	s9 =	sor.u32 $0xD0000000, s2;
	s6 =	simm.s32 $0x108;
	_ =	swait.ge @!p0 [sflag:s8], $0x0  }
0x24: {  	s3 =	sadd.s32 $0x88, s3;
	s6 =	simm.s32 @!p1 $0x1082;
	[sflag:s4] =	ssyncset.s32 $0xFFFFF086  }
0x25: {  	[simem:s6], [sflag:s4] =	dma.local [hbm:s3], $0xF7A  }
0x26: {  	[smem:$0x3F9D] =	sst s1;
	(tag) =	ssettag s2;
	_ =	strace s9  }
0x27: {  	s1 =	sld [smem:$0x3FAD]  }
0x28: {  	s2 =	sld [smem:$0x3FAE]  }
0x29: {  	s4 =	sld [smem:$0x3FB0]  }
0x2a: {  	p0 =	seq.s32 s5, $0x0;
	s5 =	sld [smem:$0x3FB1]  }
0x2b: {  	s6 =	sld [smem:$0x3FB2]  }
0x2c: {  	s7 =	sld [smem:$0x3FB3]  }
0x2d: {  	s3 =	simm.s32 $0x108;
	s8 =	sld [smem:$0x3FB4]  }
0x2e: {  	s3 =	simm.s32 @!p0 $0x1082;
	s9 =	sld [smem:$0x3FB5]  }
0x2f: {  	lr =	sadd.s32 s0, s3;
	s0 =	sld [smem:$0x3FAC]  }
0x30: {  	s3 =	sld [smem:$0x3FAF]  }
0x31: {  	[smem:$0x3FB8] =	sst s10  }
0x32: {  	s10 =	sld [smem:$0x3FB6];
	_ =	sdelay $0x3  }
0x33: {  	p0 =	seq.s32 s10, $0x1;
	s10 =	sld [smem:$0x3FB8];
	_ =	sdelay $0x3  }
0x34: {  	[smem:$0x3FB8] =	sst s10  }
0x35: {  	s10 =	sld [smem:$0x3FB7];
	_ =	sdelay $0x3  }
0x36: {  	p1 =	seq.s32 s10, $0x1;
	s10 =	sld [smem:$0x3FB8];
	_ =	sdelay $0x3  }
0x37: {  	[smem:$0x3FB8] =	sst s10  }
0x38: {  	s10 =	sld [smem:$0x3FB9]  }
0x39: {  	_ = 	snop;
	(pc) =	sbr.ind lr, $3  }
0x3a: {  	_ = 	snop  }
0x3b: {  	_ = 	snop  }
0x3c: {  	p2 =	seq.s32 s10, $0x1;
	s10 =	sld [smem:$0x3FB8]  }
0x3d: {  	_ =	shalt  }
0x3e: {  	_ =	shalt  }
0x3f: {  	_ =	shalt  }
0x40: {  	_ =	shalt  }
0x41: {  	_ =	shalt  }
0x42: {  	_ =	shalt  }
0x43: {  	_ =	shalt  }
0x44: {  	_ =	shalt  }
0x45: {  	_ =	shalt  }
0x46: {  	_ =	shalt  }
0x47: {  	_ =	shalt  }
0x48: {  	_ =	shalt  }
0x49: {  	_ =	shalt  }
0x4a: {  	_ =	shalt  }
0x4b: {  	_ =	shalt  }
0x4c: {  	_ =	shalt  }
0x4d: {  	_ =	shalt  }
0x4e: {  	_ =	shalt  }
0x4f: {  	_ =	shalt  }
0x50: {  	_ =	shalt  }
0x51: {  	_ =	shalt  }
0x52: {  	_ =	shalt  }
0x53: {  	_ =	shalt  }
0x54: {  	_ =	shalt  }
0x55: {  	_ =	shalt  }
0x56: {  	_ =	shalt  }
0x57: {  	_ =	shalt  }
0x58: {  	_ =	shalt  }
0x59: {  	_ =	shalt  }
0x5a: {  	_ =	shalt  }
0x5b: {  	_ =	shalt  }
0x5c: {  	_ =	shalt  }
0x5d: {  	_ =	shalt  }
0x5e: {  	_ =	shalt  }
0x5f: {  	_ =	shalt  }
0x60: {  	_ =	shalt  }
0x61: {  	_ =	shalt  }
0x62: {  	_ =	shalt  }
0x63: {  	_ =	shalt  }
0x64: {  	_ =	shalt  }
0x65: {  	_ =	shalt  }
0x66: {  	_ =	shalt  }
0x67: {  	_ =	shalt  }
0x68: {  	_ =	shalt  }
0x69: {  	_ =	shalt  }
0x6a: {  	_ =	shalt  }
0x6b: {  	_ =	shalt  }
0x6c: {  	_ =	shalt  }
0x6d: {  	_ =	shalt  }
0x6e: {  	_ =	shalt  }
0x6f: {  	_ =	shalt  }
0x70: {  	_ =	shalt  }
0x71: {  	_ =	shalt  }
0x72: {  	_ =	shalt  }
0x73: {  	_ =	shalt  }
0x74: {  	_ =	shalt  }
0x75: {  	_ =	shalt  }
0x76: {  	_ =	shalt  }
0x77: {  	_ =	shalt  }
0x78: {  	_ =	shalt  }
0x79: {  	_ =	shalt  }
0x7a: {  	_ =	shalt  }
0x7b: {  	_ =	shalt  }
0x7c: {  	_ =	shalt  }
0x7d: {  	_ =	shalt  }
0x7e: {  	_ =	shalt  }
0x7f: {  	_ =	shalt  }
0x80: {  	_ =	shalt  }
0x81: {  	_ =	shalt  }
0x82: {  	_ =	shalt  }
0x83: {  	_ =	shalt  }
0x84: {  	_ =	shalt  }
0x85: {  	_ =	shalt  }
0x86: {  	_ =	shalt  }
0x87: {  	_ =	shalt  }
.Lfunc_end0:
.L_simem_size_0:
called_computation_lowered:
.L_overlay_start_0:
0x88: {  	s2 =	sld [smem:$0x3FD9]  }
0x89: {  	s3 =	sld [smem:$0x3FFE];
	_ =	sdelay $0x1  }
0x8a: {  	s1 =	srdreg.scid  }
0x8b: {  	s0 =	sand.u32 $0x1, s1  }
0x8c: {  	s17 =	sshll.u32 s0, $0xA;
	s2 =	sadd.s32 s3, s2  }
0x8d: {  	s2 =	sadd.s32 s2, s17  }
0x8e: {  	[smem:$0x3FC4] =	sst s2  }
0x8f: {  	_ = 	snop  }
0x90: {  	s2 =	sld [smem:$0x3FC9]  }
0x91: {  	s18 =	sld [smem:$0x3FC8]  }
0x92: {  	s4 =	sld [smem:$0x3FC7]  }
0x93: {  	s5 =	sld [smem:$0x3FC6];
	(tm) =	ssettm $0x1  }
0x94: {  	s6 =	sld [smem:$0x3FFB];
	_ =	sdelay $0x3  }
0x95: {  	_ =	strace s6  }
0x96: {  	s6 =	sld [smem:$0x3FFC];
	_ =	sdelay $0x3  }
0x97: {  	_ =	strace s6  }
0x98: {  	s6 =	sld [smem:$0x3FFD];
	_ =	sdelay $0x3  }
0x99: {  	_ =	strace s6  }
0x9a: {  	_ =	strace $0x8FFFFFFF  }
0x9b: {  	s19 =	sld [smem:$0x3FDB];
	_ =	sdelay $0x1  }
0x9c: {  	s7 =	simm.s32 $_scs_section_size  }
0x9d: {  	s8 =	simm.s32 $_size__tile_overlayer_lowered;
	s9 =	simm.s32 $_tile_overlayer_lowered  }
0x9e: {  	s22 =	simm.s32 $0x1BFF;
	s21 =	sshll.u32 s9, $0x1;
	s6 =	sadd.s32 s7, s19  }
0x9f: {  	s10 =	simm.s32 $0x0;
	s20 =	sshll.u32 s8, $0x1;
	s8 =	sadd.s32 s21, s6  }
0xa0: {  	[timem:s10], [sflag:s22] =	dma.local [hbm:s8], s20  }
0xa1: {  	_ =	swait.ge [sflag:s22], s20  }
0xa2: {  	s7 =	ssub.s32 $0x0, s20;
	[sflag:s22] =	ssyncset.done $0x0  }
0xa3: {  	[sflag:s22] =	ssyncadd.s32 s7;
	_ =	sdelay $0x1  }
0xa4: {  	s23 =	simm.s32 $0x1B8B  }
0xa5: {  	_ =	swait.ge [sflag:s23], $0x1  }
0xa6: {  	[sflag:s23] =	ssyncset.done $0x0  }
0xa7: {  	s25 =	simm.s32 $0x1B8E;
	s24 =	sld [smem:$0x3FFE];
	[sflag:s23] =	ssyncadd.s32 $0xFFFFFFFF  }
0xa8: {  	s26 =	simm.s32 $execute0_lowered;
	[smem:$0x3FD2] =	sst s25  }
0xa9: {  	s8 =	sshll.u32 s26, $0x1;
	_ =	strace $0x80000046;
	[dreg:$0x1] =	wrdreg $0xFFFFFFFF  }
0xaa: {  	s28 =	simm.s32 $_size_execute0_lowered;
	s6 =	sadd.s32 s6, s8;
	[dreg:$0x0] =	wrdreg $0x0  }
0xab: {  	s8 =	sshll.u32 s28, $0x1;
	[dreg:$0x2] =	wrdreg s6  }
0xac: {  	[dreg:$0x3] =	wrdreg s8  }
0xad: {  	[dreg:$0x4] =	wrdreg $0xC0  }
0xae: {  	_ =	task [dreg:s10], $0x5FFFF  }
0xaf: {  	[dreg:$0x1] =	wrdreg $0xFFFFFFFF  }
0xb0: {  	[dreg:$0x0] =	wrdreg $0x60  }
0xb1: {  	[dreg:$0x2] =	wrdreg s2  }
0xb2: {  	[dreg:$0x3] =	wrdreg s18  }
0xb3: {  	[dreg:$0x4] =	wrdreg s4  }
0xb4: {  	[dreg:$0x5] =	wrdreg s5  }
0xb5: {  	[dreg:$0x6] =	wrdreg s24  }
0xb6: {  	[dreg:$0x7] =	wrdreg $0x9  }
0xb7: {  	_ =	task.clear_ibuf [dreg:s10], $0x8FFFF;
	_ =	strace $0x90000046  }
0xb8: {  	s29 =	simm.s32 $0x9;
	_ =	strace $0x80000048  }
0xb9: {  	_ =	swait.ge [sflag:s29], $0x1  }
0xba: {  	[sflag:s29] =	ssyncadd.s32 $0xFFFFFFFF  }
0xbb: {  	_ =	strace $0x90000048  }
0xbc: {  	_ =	sfence  }
0xbd: {  	s30 =	sld [smem:$0x0];
	_ =	sdelay $0x2  }
0xbe: {  	s31 =	sshll.u32 s1, $0xD;
	s1 =	sshrl.u32 s1, $0x2  }
0xbf: {  	s3 =	sand.u32 $0x4000, s31;
	s1 =	sadd.s32 s1, s30  }
0xc0: {  	s0 =	sor.u32 s3, s0;
	s1 =	sshll.u32 s1, $0x11  }
0xc1: {  	s0 =	sor.u32 s1, s0  }
0xc2: {  	s0 =	sadd.s32 $0x8F2B, s0  }
0xc3: {  	[sflag:s0] =	ssyncadd.remote.s32 $0x1  }
0xc4: {  	_ =	sfence.sel $0xFFFF  }
0xc5: {  	[dreg:$0x0] =	wrdreg $0xFFFFFFFF;
	(pc) =	sbr.abs _section_cstart, $3  }
0xc6: {  	[dreg:$0x1] =	wrdreg $0xFFFFFFFF  }
0xc7: {  	_ =	task.clear_ibuf [dreg:s10], $0x2FFFF;
	_ =	strace $0x9FFFFFFF  }
0xc8: {  	(tm) =	ssettm $0x7FFFFFFF  }
0xc9: {  	_ =	shalt  }
tec
execute0_lowered:
.L_overlay_start_1:
0x0: {  	(tag) =	ssettag $0x1  }
0x1: {  	s1 =	rddreg [dreg:$0x0]  }
0x2: {  	s2 =	rddreg [dreg:$0x1]  }
0x3: {  	s0 =	rddreg [dreg:$0x2]  }
0x4: {  	s3 =	rddreg [dreg:$0x3]  }
0x5: {  	s5 =	rddreg [dreg:$0x4]  }
0x6: {  	s4 =	simm.s32 $0x0;
	s6 =	srdreg.scid;
	s7 =	stileid.u32  }
0x7: {  	s16 =	simm.s32 $0x4A00;
	s17 =	simm.s32 $0x5200;
	s18 =	simm.s32 $0x5A00  }
0x8: {  	s19 =	simm.s32 $0x2200;
	s20 =	simm.s32 $0x2A00;
	s21 =	simm.s32 $0x3200  }
0x9: {  	s22 =	simm.s32 $0x3A00;
	s23 =	simm.s32 $0x6200;
	s24 =	simm.s32 $0x6A00  }
0xa: {  	s25 =	simm.s32 $0x7200;
	s26 =	simm.s32 $0x7A00;
	s28 =	simm.s32 $0x1  }
0xb: {  	s29 =	simm.s32 $0x3;
	s30 =	simm.s32 $0x2;
	s31 =	simm.s32 $0x4  }
0xc: {  	[smem:$0x7FF] =	sst s4;
	s6 =	sand.u32 $0x1, s6;
	s7 =	sshll.u32 s7, $0x1  }
0xd: {  	v2 =	vlaneseq.u32;
	_ =	strace $0x80000047;
	s7 =	sor.u32 s6, s7;
	s6 =	ssub.s32 $0x2, s6  }
0xe: {  	v0 =	vand.u32 $0x7, v2;
	v1 =	vshrl.u32 v2, $0x3;
	s8 =	sshll.u32 s7, $0x4;
	s9 =	sshrl.u32 s6, $0x1;
	s7 =	sshll.u32 s7, $0x5  }
0xf: {  	v63 =	vor.u32 $0x8, v2;
	[tilespmem:$0x1FFD0] =	vst v0;
	v62 =	vmul.u32 $0x8, v1;
	s8 =	sadd.s32 s8, s5;
	s9 =	ssub.s32 s6, s9;
	s5 =	sadd.s32 s0, s7  }
0x10: {  	[tilespmem:$0x1FFF0] =	vst v63;
	s6 =	sadd.s32 s3, s7;
	s0 =	simm.s32 $0x8200;
	s3 =	simm.s32 $0x0  }
0x11: {  	vm0 =	vmmov $0xffff;
	[tilespmem:$0x1FFE0] =	vst v62;
	s7 =	sadd.s32 $0x400, s8;
	s8 =	smax.u32 s9, $0x1;
	s9 =	simm.s32 $0x5  }
.LBB2_1:
0x12: {  	[tilespmem:s4], [sflag:$0x5] =	stream.linear.gather [hbm4b:s5+s4], $0x100, $0x38;
	[tilespmem:$0x8280] =	vst v63  }
0x13: {  	_ =	swait.ge [sflag:s9], $0x100  }
0x14: {  	[sflag:s9] =	ssyncset.done $0x0  }
0x15: {  	s10 =	simm.s32 $0x100;
	[sflag:s9] =	ssyncadd.s32 $0xFFFFFF00  }
0x16: {  	[tilespmem:s10], [sflag:$0x5] =	stream.linear.gather [hbm4b:s6+s4], $0x100, $0x38;
	[tilespmem:$0x8280] =	vst v63  }
0x17: {  	_ =	swait.ge [sflag:s9], $0x100  }
0x18: {  	[sflag:s9] =	ssyncset.done $0x0  }
0x19: {  	[sflag:s9] =	ssyncadd.s32 $0xFFFFFF00  }
0x1a: {  	v3 =	vld [tilespmem:$0x0];
	_ =	sdelay $0x2  }
0x1b: {  	v0 =	vld [tilespmem:$0x1FFD0]  }
0x1c: {  	v1 =	vld [tilespmem:$0x1FFE0]  }
0x1d: {  	v2 =	vld [tilespmem:$0x1FFF0];
	v4 =	vshll.u32 v3, $0x1  }
0x1e: {  	v3 =	vand.u32 $0x7, v3;
	v4 =	vand.u32 $0xFFFFFFF0, v4  }
0x1f: {  	v3 =	vor.u32 v3, v4  }
0x20: {  	v4 =	vperm.xlane v3, v0;
	_ =	sdelay $0x1  }
0x21: {  	v3 =	vperm.xlane v3, v2;
	v4 =	vadd.s32 v1, v4;
	_ =	sdelay $0x1  }
0x22: {  	v3 =	vadd.s32 v1, v3;
	_ =	sdelay $0x1  }
0x23: {  	s11 =	simm.s32 $0x200  }
0x24: {  	[tilespmem:s11], [sflag:$0x1] =	stream.indirect_vreg.gather [hbm4b:s1+s4], $0x80, v4, vm0, $0xb8;
	[tilespmem:$0x8280] =	vst v63  }
0x25: {  	s12 =	simm.s32 $0xA00  }
0x26: {  	[tilespmem:s12], [sflag:$0x1] =	stream.indirect_vreg.gather [hbm4b:s1+s4], $0x80, v3, vm0, $0xb8;
	[tilespmem:$0x8280] =	vst v63  }
0x27: {  	v3 =	vld [tilespmem:$0x10];
	_ =	sdelay $0x4  }
0x28: {  	v4 =	vshll.u32 v3, $0x1  }
0x29: {  	v3 =	vand.u32 $0x7, v3;
	v4 =	vand.u32 $0xFFFFFFF0, v4  }
0x2a: {  	v3 =	vor.u32 v3, v4  }
0x2b: {  	v4 =	vperm.xlane v3, v0;
	_ =	sdelay $0x1  }
0x2c: {  	v3 =	vperm.xlane v3, v2;
	v4 =	vadd.s32 v1, v4;
	_ =	sdelay $0x1  }
0x2d: {  	v3 =	vadd.s32 v1, v3;
	_ =	sdelay $0x1  }
0x2e: {  	s13 =	simm.s32 $0x1200  }
0x2f: {  	[tilespmem:s13], [sflag:$0x1] =	stream.indirect_vreg.gather [hbm4b:s1+s4], $0x80, v4, vm0, $0xb8;
	[tilespmem:$0x8280] =	vst v63  }
0x30: {  	s14 =	simm.s32 $0x1A00  }
0x31: {  	[tilespmem:s14], [sflag:$0x1] =	stream.indirect_vreg.gather [hbm4b:s1+s4], $0x80, v3, vm0, $0xb8;
	[tilespmem:$0x8280] =	vst v63  }
0x32: {  	v3 =	vld [tilespmem:$0x100];
	_ =	sdelay $0x4  }
0x33: {  	v4 =	vshll.u32 v3, $0x1  }
0x34: {  	v3 =	vand.u32 $0x7, v3;
	v4 =	vand.u32 $0xFFFFFFF0, v4  }
0x35: {  	v3 =	vor.u32 v3, v4  }
0x36: {  	v4 =	vperm.xlane v3, v0;
	_ =	sdelay $0x1  }
0x37: {  	v3 =	vperm.xlane v3, v2;
	v4 =	vadd.s32 v1, v4;
	_ =	sdelay $0x1  }
0x38: {  	v3 =	vadd.s32 v1, v3;
	_ =	sdelay $0x1  }
0x39: {  	s15 =	simm.s32 $0x4200  }
0x3a: {  	[tilespmem:s15], [sflag:$0x3] =	stream.indirect_vreg.gather [hbm4b:s2+s4], $0x80, v4, vm0, $0xb8;
	[tilespmem:$0x8280] =	vst v63  }
0x3b: {  	_ = 	snop  }
0x3c: {  	[tilespmem:s16], [sflag:$0x3] =	stream.indirect_vreg.gather [hbm4b:s2+s4], $0x80, v3, vm0, $0xb8;
	[tilespmem:$0x8280] =	vst v63  }
0x3d: {  	v3 =	vld [tilespmem:$0x110];
	_ =	sdelay $0x4  }
0x3e: {  	v4 =	vshll.u32 v3, $0x1  }
0x3f: {  	v3 =	vand.u32 $0x7, v3;
	v4 =	vand.u32 $0xFFFFFFF0, v4  }
0x40: {  	v3 =	vor.u32 v3, v4  }
0x41: {  	v4 =	vperm.xlane v3, v0;
	_ =	sdelay $0x1  }
0x42: {  	v3 =	vperm.xlane v3, v2;
	v4 =	vadd.s32 v1, v4;
	_ =	sdelay $0x1  }
0x43: {  	v3 =	vadd.s32 v1, v3;
	_ =	sdelay $0x2  }
0x44: {  	[tilespmem:s17], [sflag:$0x3] =	stream.indirect_vreg.gather [hbm4b:s2+s4], $0x80, v4, vm0, $0xb8;
	[tilespmem:$0x8280] =	vst v63  }
0x45: {  	_ = 	snop  }
0x46: {  	[tilespmem:s18], [sflag:$0x3] =	stream.indirect_vreg.gather [hbm4b:s2+s4], $0x80, v3, vm0, $0xb8;
	[tilespmem:$0x8280] =	vst v63  }
0x47: {  	v3 =	vld [tilespmem:$0x20];
	_ =	sdelay $0x4  }
0x48: {  	v4 =	vshll.u32 v3, $0x1  }
0x49: {  	v3 =	vand.u32 $0x7, v3;
	v4 =	vand.u32 $0xFFFFFFF0, v4  }
0x4a: {  	v3 =	vor.u32 v3, v4  }
0x4b: {  	v4 =	vperm.xlane v3, v0;
	_ =	sdelay $0x1  }
0x4c: {  	v3 =	vperm.xlane v3, v2;
	v4 =	vadd.s32 v1, v4;
	_ =	sdelay $0x1  }
0x4d: {  	v3 =	vadd.s32 v1, v3;
	_ =	sdelay $0x2  }
0x4e: {  	[tilespmem:s19], [sflag:$0x2] =	stream.indirect_vreg.gather [hbm4b:s1+s4], $0x80, v4, vm0, $0xb8;
	[tilespmem:$0x8280] =	vst v63  }
0x4f: {  	_ = 	snop  }
0x50: {  	[tilespmem:s20], [sflag:$0x2] =	stream.indirect_vreg.gather [hbm4b:s1+s4], $0x80, v3, vm0, $0xb8;
	[tilespmem:$0x8280] =	vst v63  }
0x51: {  	v3 =	vld [tilespmem:$0x30];
	_ =	sdelay $0x4  }
0x52: {  	v4 =	vshll.u32 v3, $0x1  }
0x53: {  	v3 =	vand.u32 $0x7, v3;
	v4 =	vand.u32 $0xFFFFFFF0, v4  }
0x54: {  	v3 =	vor.u32 v3, v4  }
0x55: {  	v4 =	vperm.xlane v3, v0;
	_ =	sdelay $0x1  }
0x56: {  	v3 =	vperm.xlane v3, v2;
	v4 =	vadd.s32 v1, v4;
	_ =	sdelay $0x1  }
0x57: {  	v3 =	vadd.s32 v1, v3;
	_ =	sdelay $0x2  }
0x58: {  	[tilespmem:s21], [sflag:$0x2] =	stream.indirect_vreg.gather [hbm4b:s1+s4], $0x80, v4, vm0, $0xb8;
	[tilespmem:$0x8280] =	vst v63  }
0x59: {  	_ = 	snop  }
0x5a: {  	[tilespmem:s22], [sflag:$0x2] =	stream.indirect_vreg.gather [hbm4b:s1+s4], $0x80, v3, vm0, $0xb8;
	[tilespmem:$0x8280] =	vst v63  }
0x5b: {  	v3 =	vld [tilespmem:$0x120];
	_ =	sdelay $0x4  }
0x5c: {  	v4 =	vshll.u32 v3, $0x1  }
0x5d: {  	v3 =	vand.u32 $0x7, v3;
	v4 =	vand.u32 $0xFFFFFFF0, v4  }
0x5e: {  	v3 =	vor.u32 v3, v4  }
0x5f: {  	v4 =	vperm.xlane v3, v0;
	_ =	sdelay $0x1  }
0x60: {  	v3 =	vperm.xlane v3, v2;
	v4 =	vadd.s32 v1, v4;
	_ =	sdelay $0x1  }
0x61: {  	v3 =	vadd.s32 v1, v3;
	_ =	sdelay $0x2  }
0x62: {  	[tilespmem:s23], [sflag:$0x4] =	stream.indirect_vreg.gather [hbm4b:s2+s4], $0x80, v4, vm0, $0xb8;
	[tilespmem:$0x8280] =	vst v63  }
0x63: {  	_ = 	snop  }
0x64: {  	[tilespmem:s24], [sflag:$0x4] =	stream.indirect_vreg.gather [hbm4b:s2+s4], $0x80, v3, vm0, $0xb8;
	[tilespmem:$0x8280] =	vst v63  }
0x65: {  	v3 =	vld [tilespmem:$0x130];
	_ =	sdelay $0x4  }
0x66: {  	v4 =	vshll.u32 v3, $0x1  }
0x67: {  	v3 =	vand.u32 $0x7, v3;
	v4 =	vand.u32 $0xFFFFFFF0, v4  }
0x68: {  	v3 =	vor.u32 v3, v4  }
0x69: {  	v4 =	vperm.xlane v3, v0;
	_ =	sdelay $0x1  }
0x6a: {  	v3 =	vperm.xlane v3, v2;
	v4 =	vadd.s32 v1, v4;
	_ =	sdelay $0x1  }
0x6b: {  	v3 =	vadd.s32 v1, v3;
	_ =	sdelay $0x2  }
0x6c: {  	[tilespmem:s25], [sflag:$0x4] =	stream.indirect_vreg.gather [hbm4b:s2+s4], $0x80, v4, vm0, $0xb8;
	[tilespmem:$0x8280] =	vst v63  }
0x6d: {  	v5 =	vimm.f32 $0.0e+00;
	s10 =	simm.s32 $0x0  }
0x6e: {  	v6 =	vimm.f32 $0.0e+00;
	v4 =	vimm.f32 $0.0e+00;
	[tilespmem:s26], [sflag:$0x4] =	stream.indirect_vreg.gather [hbm4b:s2+s4], $0x80, v3, vm0, $0xb8;
	v3 =	vimm.f32 $0.0e+00;
	[tilespmem:$0x8280] =	vst v63  }
.LBB2_2:
0x6f: {  	_ =	swait.ge [sflag:s28], $0x2000  }
0x70: {  	[sflag:s28] =	ssyncset.done $0x0  }
0x71: {  	[sflag:s28] =	ssyncadd.s32 $0xFFFFE000  }
0x72: {  	s11 =	simm.s32 $0x0;
	_ =	swait.ge [sflag:s29], $0x2000  }
0x73: {  	s12 =	sand.u32 $0x1800, s11;
	s13 =	sand.u32 $0x380, s11;
	[sflag:s29] =	ssyncset.done $0x0  }
0x74: {  	s12 =	sor.u32 s13, s12;
	[sflag:s29] =	ssyncadd.s32 $0xFFFFE000  }
0x75: {  	v7 =	vld [tilespmem:s12+$0x660]  }
0x76: {  	v8 =	vld [tilespmem:s12+$0x4660]  }
0x77: {  	v9 =	vld [tilespmem:s12+$0x670]  }
0x78: {  	v10 =	vld [tilespmem:s12+$0x4670]  }
0x79: {  	v11 =	vld [tilespmem:s12+$0x640]  }
0x7a: {  	v12 =	vld [tilespmem:s12+$0x4640]  }
0x7b: {  	v13 =	vld [tilespmem:s12+$0x650]  }
0x7c: {  	v14 =	vld [tilespmem:s12+$0x4650]  }
0x7d: {  	v15 =	vld [tilespmem:s12+$0x620]  }
0x7e: {  	v16 =	vld [tilespmem:s12+$0x4620]  }
0x7f: {  	v17 =	vld [tilespmem:s12+$0x630]  }
0x80: {  	v18 =	vld [tilespmem:s12+$0x4630]  }
0x81: {  	v19 =	vld [tilespmem:s12+$0x600]  }
0x82: {  	v20 =	vld [tilespmem:s12+$0x4600];
	v21 =	vshll.u32 v7, $0x10;
	v7 =	vand.u32 $0xFFFF0000, v7  }
0x83: {  	v22 =	vld [tilespmem:s12+$0x610];
	v23 =	vshll.u32 v8, $0x10;
	v8 =	vand.u32 $0xFFFF0000, v8;
	v24 =	vshll.u32 v9, $0x10  }
0x84: {  	v25 =	vld [tilespmem:s12+$0x4610];
	v9 =	vand.u32 $0xFFFF0000, v9;
	v26 =	vshll.u32 v10, $0x10;
	v10 =	vand.u32 $0xFFFF0000, v10  }
0x85: {  	v27 =	vld [tilespmem:s12+$0x260];
	v28 =	vshll.u32 v11, $0x10;
	v11 =	vand.u32 $0xFFFF0000, v11;
	v29 =	vshll.u32 v12, $0x10  }
0x86: {  	v30 =	vld [tilespmem:s12+$0x4260];
	v12 =	vand.u32 $0xFFFF0000, v12;
	v31 =	vshll.u32 v13, $0x10;
	v13 =	vand.u32 $0xFFFF0000, v13  }
0x87: {  	v32 =	vld [tilespmem:s12+$0x270];
	v33 =	vshll.u32 v15, $0x10;
	v34 =	vshll.u32 v14, $0x10;
	v14 =	vand.u32 $0xFFFF0000, v14  }
0x88: {  	v35 =	vld [tilespmem:s12+$0x4270];
	v15 =	vand.u32 $0xFFFF0000, v15;
	v36 =	vshll.u32 v16, $0x10;
	v16 =	vand.u32 $0xFFFF0000, v16  }
0x89: {  	v37 =	vld [tilespmem:s12+$0x240];
	v38 =	vshll.u32 v17, $0x10;
	v39 =	vand.u32 $0xFFFF0000, v17;
	v40 =	vshll.u32 v18, $0x10  }
0x8a: {  	v42 =	vld [tilespmem:s12+$0x250];
	v41 =	vshll.u32 v19, $0x10;
	v19 =	vand.u32 $0xFFFF0000, v19;
	v18 =	vand.u32 $0xFFFF0000, v18  }
0x8b: {  	v17 =	vld [tilespmem:s12+$0x4240];
	v43 =	vshll.u32 v20, $0x10;
	v44 =	vand.u32 $0xFFFF0000, v20;
	v45 =	vshll.u32 v22, $0x10  }
0x8c: {  	v20 =	vld [tilespmem:s12+$0x4250];
	v46 =	vand.u32 $0xFFFF0000, v22;
	v47 =	vshll.u32 v25, $0x10;
	v48 =	vand.u32 $0xFFFF0000, v25  }
0x8d: {  	v22 =	vld [tilespmem:s12+$0x220];
	v49 =	vshll.u32 v27, $0x10;
	v50 =	vand.u32 $0xFFFF0000, v27;
	v27 =	vshll.u32 v30, $0x10  }
0x8e: {  	v51 =	vand.u32 $0xFFFF0000, v30;
	v52 =	vshll.u32 v32, $0x10;
	v32 =	vand.u32 $0xFFFF0000, v32  }
0x8f: {  	v53 =	vshll.u32 v37, $0x10;
	v54 =	vshll.u32 v35, $0x10;
	v35 =	vand.u32 $0xFFFF0000, v35  }
0x90: {  	v30 =	vld [tilespmem:s12+$0x4220];
	v55 =	vand.u32 $0xFFFF0000, v37;
	v58 =	vshll.u32 v42, $0x10;
	v59 =	vand.u32 $0xFFFF0000, v42  }
0x91: {  	v27 =	vsub.f32 v27, v49;
	v56 =	vshll.u32 v17, $0x10;
	v57 =	vand.u32 $0xFFFF0000, v17  }
0x92: {  	v37 =	vld [tilespmem:s12+$0x230];
	v60 =	vshll.u32 v20, $0x10;
	v61 =	vshll.u32 v22, $0x10;
	v17 =	vsub.f32 v23, v21  }
0x93: {  	v62 =	vand.u32 $0xFFFF0000, v20;
	v20 =	vsub.f32 v8, v7;
	v8 =	vsub.f32 v26, v24  }
0x94: {  	v42 =	vld [tilespmem:s12+$0x4230];
	v25 =	vand.u32 $0xFFFF0000, v22;
	v21 =	vsub.f32 v29, v28;
	v7 =	vsub.f32 v10, v9  }
0x95: {  	v63 =	vshll.u32 v30, $0x10;
	v22 =	vsub.f32 v12, v11;
	v10 =	vsub.f32 v34, v31  }
0x96: {  	v0 =	vld [tilespmem:s12+$0x4200];
	v30 =	vand.u32 $0xFFFF0000, v30;
	v24 =	vsub.f32 v36, v33;
	v9 =	vsub.f32 v14, v13  }
0x97: {  	v31 =	vshll.u32 v37, $0x10;
	v23 =	vsub.f32 v16, v15;
	v12 =	vsub.f32 v40, v38  }
0x98: {  	v29 =	vld [tilespmem:s12+$0x200];
	v33 =	vand.u32 $0xFFFF0000, v37;
	v26 =	vsub.f32 v43, v41;
	v11 =	vsub.f32 v18, v39  }
0x99: {  	v36 =	vshll.u32 v42, $0x10;
	v38 =	vld [tilespmem:s12+$0x210];
	v28 =	vsub.f32 v44, v19;
	v14 =	vsub.f32 v47, v45  }
0x9a: {  	v37 =	vand.u32 $0xFFFF0000, v42;
	v13 =	vsub.f32 v48, v46;
	v16 =	vsub.f32 v54, v52  }
0x9b: {  	v42 =	vshll.u32 v0, $0x10;
	v15 =	vsub.f32 v35, v32;
	v41 =	vld [tilespmem:s12+$0x4210];
	v34 =	vsub.f32 v56, v53  }
0x9c: {  	v43 =	vand.u32 $0xFFFF0000, v0;
	v32 =	vsub.f32 v57, v55;
	v19 =	vsub.f32 v60, v58  }
0x9d: {  	v35 =	vsub.f32 v63, v61;
	v18 =	vsub.f32 v62, v59;
	v39 =	vshll.u32 v29, $0x10  }
0x9e: {  	s12 =	simm.s32 $0x100;
	v40 =	vand.u32 $0xFFFF0000, v29;
	v29 =	vsub.f32 v51, v50;
	v44 =	vshll.u32 v38, $0x10  }
.LBB2_3:
0x9f: {  	p0 =	sne.s32 s12, $0x1F00;
	v0 =	vand.u32 $0xFFFF0000, v38;
	v25 =	vsub.f32 v30, v25;
	v30 =	vsub.f32 v36, v31  }
0xa0: {  	v31 =	vsub.f32 v42, v39;
	v33 =	vsub.f32 v37, v33;
	v36 =	vshll.u32 v41, $0x10  }
0xa1: {  	v37 =	vsub.f32 v43, v40;
	v38 =	vand.u32 $0xFFFF0000, v41;
	v36 =	vsub.f32 v36, v44  }
0xa2: {  	v17 =	vand.u32 $0x7FFFFFFF, v17;
	v20 =	vand.u32 $0x7FFFFFFF, v20;
	v0 =	vsub.f32 v38, v0  }
0xa3: {  	v24 =	vand.u32 $0x7FFFFFFF, v24;
	v21 =	vand.u32 $0x7FFFFFFF, v21;
	v22 =	vand.u32 $0x7FFFFFFF, v22  }
0xa4: {  	v26 =	vand.u32 $0x7FFFFFFF, v26;
	v28 =	vand.u32 $0x7FFFFFFF, v28;
	v23 =	vand.u32 $0x7FFFFFFF, v23  }
0xa5: {  	v34 =	vand.u32 $0x7FFFFFFF, v34;
	v27 =	vand.u32 $0x7FFFFFFF, v27;
	v29 =	vand.u32 $0x7FFFFFFF, v29  }
0xa6: {  	v32 =	vand.u32 $0x7FFFFFFF, v32;
	v35 =	vand.u32 $0x7FFFFFFF, v35;
	v25 =	vand.u32 $0x7FFFFFFF, v25  }
0xa7: {  	v31 =	vand.u32 $0x7FFFFFFF, v31;
	v37 =	vand.u32 $0x7FFFFFFF, v37;
	v36 =	vand.u32 $0x7FFFFFFF, v36  }
0xa8: {  	s11 =	sadd.s32 $0x80, s11;
	v6 =	vadd.f32 v31, v6;
	v5 =	vadd.f32 v37, v5;
	v0 =	vand.u32 $0x7FFFFFFF, v0  }
0xa9: {  	s13 =	sand.u32 $0x1800, s12;
	s14 =	sand.u32 $0x380, s11;
	v4 =	vadd.f32 v36, v4;
	v0 =	vadd.f32 v0, v3;
	v3 =	vand.u32 $0x7FFFFFFF, v30  }
0xaa: {  	s13 =	sor.u32 s14, s13;
	v6 =	vadd.f32 v35, v6;
	v5 =	vadd.f32 v25, v5;
	v25 =	vand.u32 $0x7FFFFFFF, v33  }
0xab: {  	v3 =	vadd.f32 v3, v4;
	v0 =	vadd.f32 v25, v0;
	v4 =	vand.u32 $0x7FFFFFFF, v19;
	v30 =	vld [tilespmem:s13+$0x660]  }
0xac: {  	v18 =	vand.u32 $0x7FFFFFFF, v18;
	v6 =	vadd.f32 v34, v6;
	v5 =	vadd.f32 v32, v5;
	v19 =	vld [tilespmem:s13+$0x4660]  }
0xad: {  	v3 =	vadd.f32 v4, v3;
	v0 =	vadd.f32 v18, v0;
	v4 =	vand.u32 $0x7FFFFFFF, v16;
	v25 =	vld [tilespmem:s13+$0x670]  }
0xae: {  	v15 =	vand.u32 $0x7FFFFFFF, v15;
	v6 =	vadd.f32 v27, v6;
	v5 =	vadd.f32 v29, v5;
	v16 =	vld [tilespmem:s13+$0x4670]  }
0xaf: {  	v3 =	vadd.f32 v4, v3;
	v0 =	vadd.f32 v15, v0;
	v4 =	vand.u32 $0x7FFFFFFF, v14;
	v18 =	vld [tilespmem:s13+$0x640]  }
0xb0: {  	v13 =	vand.u32 $0x7FFFFFFF, v13;
	v6 =	vadd.f32 v26, v6;
	v5 =	vadd.f32 v28, v5;
	v14 =	vld [tilespmem:s13+$0x4640]  }
0xb1: {  	v3 =	vadd.f32 v4, v3;
	v0 =	vadd.f32 v13, v0;
	v4 =	vand.u32 $0x7FFFFFFF, v12;
	v15 =	vld [tilespmem:s13+$0x650]  }
0xb2: {  	v11 =	vand.u32 $0x7FFFFFFF, v11;
	v6 =	vadd.f32 v24, v6;
	v5 =	vadd.f32 v23, v5;
	v12 =	vld [tilespmem:s13+$0x4650]  }
0xb3: {  	v3 =	vadd.f32 v4, v3;
	v0 =	vadd.f32 v11, v0;
	v4 =	vand.u32 $0x7FFFFFFF, v10;
	v13 =	vld [tilespmem:s13+$0x620]  }
0xb4: {  	v9 =	vand.u32 $0x7FFFFFFF, v9;
	v6 =	vadd.f32 v21, v6;
	v5 =	vadd.f32 v22, v5;
	v10 =	vld [tilespmem:s13+$0x4620]  }
0xb5: {  	v3 =	vadd.f32 v4, v3;
	v0 =	vadd.f32 v9, v0;
	v4 =	vand.u32 $0x7FFFFFFF, v8;
	v11 =	vld [tilespmem:s13+$0x630]  }
0xb6: {  	v7 =	vand.u32 $0x7FFFFFFF, v7;
	v6 =	vadd.f32 v17, v6;
	v5 =	vadd.f32 v20, v5;
	v8 =	vld [tilespmem:s13+$0x4630]  }
0xb7: {  	v4 =	vadd.f32 v4, v3;
	v3 =	vadd.f32 v7, v0;
	v9 =	vld [tilespmem:s13+$0x600]  }
0xb8: {  	v20 =	vand.u32 $0xFFFF0000, v30;
	v7 =	vshll.u32 v30, $0x10;
	v0 =	vld [tilespmem:s13+$0x4600]  }
0xb9: {  	v21 =	vshll.u32 v19, $0x10;
	v19 =	vand.u32 $0xFFFF0000, v19;
	v22 =	vshll.u32 v25, $0x10;
	v17 =	vld [tilespmem:s13+$0x610]  }
0xba: {  	v24 =	vand.u32 $0xFFFF0000, v25;
	v26 =	vshll.u32 v16, $0x10;
	v16 =	vand.u32 $0xFFFF0000, v16;
	v23 =	vld [tilespmem:s13+$0x4610]  }
0xbb: {  	v27 =	vshll.u32 v18, $0x10;
	v18 =	vand.u32 $0xFFFF0000, v18;
	v28 =	vshll.u32 v14, $0x10;
	v25 =	vld [tilespmem:s13+$0x260]  }
0xbc: {  	v14 =	vand.u32 $0xFFFF0000, v14;
	v31 =	vshll.u32 v15, $0x10;
	v15 =	vand.u32 $0xFFFF0000, v15;
	v29 =	vld [tilespmem:s13+$0x4260]  }
0xbd: {  	v33 =	vshll.u32 v12, $0x10;
	v12 =	vand.u32 $0xFFFF0000, v12;
	v32 =	vshll.u32 v13, $0x10;
	v30 =	vld [tilespmem:s13+$0x270]  }
0xbe: {  	v13 =	vand.u32 $0xFFFF0000, v13;
	v35 =	vshll.u32 v10, $0x10;
	v36 =	vand.u32 $0xFFFF0000, v10;
	v34 =	vld [tilespmem:s13+$0x4270]  }
0xbf: {  	v37 =	vshll.u32 v11, $0x10;
	v11 =	vand.u32 $0xFFFF0000, v11;
	v38 =	vshll.u32 v8, $0x10;
	v10 =	vld [tilespmem:s13+$0x240]  }
0xc0: {  	v42 =	vand.u32 $0xFFFF0000, v8;
	v40 =	vshll.u32 v9, $0x10;
	v41 =	vand.u32 $0xFFFF0000, v9;
	v39 =	vld [tilespmem:s13+$0x4240]  }
0xc1: {  	v43 =	vshll.u32 v0, $0x10;
	v0 =	vand.u32 $0xFFFF0000, v0;
	v44 =	vshll.u32 v17, $0x10;
	v8 =	vld [tilespmem:s13+$0x250]  }
0xc2: {  	v45 =	vand.u32 $0xFFFF0000, v17;
	v46 =	vshll.u32 v23, $0x10;
	v47 =	vand.u32 $0xFFFF0000, v23;
	v9 =	vld [tilespmem:s13+$0x4250]  }
0xc3: {  	v48 =	vshll.u32 v25, $0x10;
	v49 =	vand.u32 $0xFFFF0000, v25;
	v50 =	vshll.u32 v29, $0x10;
	v23 =	vld [tilespmem:s13+$0x220]  }
0xc4: {  	v29 =	vand.u32 $0xFFFF0000, v29;
	v51 =	vshll.u32 v30, $0x10;
	v52 =	vand.u32 $0xFFFF0000, v30  }
0xc5: {  	v54 =	vshll.u32 v34, $0x10;
	v55 =	vand.u32 $0xFFFF0000, v34;
	v53 =	vshll.u32 v10, $0x10;
	v30 =	vld [tilespmem:s13+$0x4220]  }
0xc6: {  	v56 =	vand.u32 $0xFFFF0000, v10;
	v34 =	vshll.u32 v39, $0x10;
	v57 =	vand.u32 $0xFFFF0000, v39  }
0xc7: {  	v58 =	vshll.u32 v8, $0x10;
	v59 =	vand.u32 $0xFFFF0000, v8;
	v39 =	vld [tilespmem:s13+$0x230];
	v60 =	vshll.u32 v9, $0x10  }
0xc8: {  	v17 =	vsub.f32 v21, v7;
	v62 =	vand.u32 $0xFFFF0000, v9;
	v61 =	vshll.u32 v23, $0x10  }
0xc9: {  	v20 =	vsub.f32 v19, v20;
	v8 =	vsub.f32 v26, v22;
	v25 =	vand.u32 $0xFFFF0000, v23;
	v63 =	vld [tilespmem:s13+$0x4230]  }
0xca: {  	v21 =	vsub.f32 v28, v27;
	v7 =	vsub.f32 v16, v24;
	v2 =	vshll.u32 v30, $0x10  }
0xcb: {  	v10 =	vsub.f32 v33, v31;
	v22 =	vsub.f32 v14, v18;
	v30 =	vand.u32 $0xFFFF0000, v30;
	v16 =	vld [tilespmem:s13+$0x200]  }
0xcc: {  	v24 =	vsub.f32 v35, v32;
	v9 =	vsub.f32 v12, v15;
	v31 =	vshll.u32 v39, $0x10  }
0xcd: {  	v12 =	vsub.f32 v38, v37;
	v23 =	vsub.f32 v36, v13;
	v33 =	vand.u32 $0xFFFF0000, v39;
	v18 =	vld [tilespmem:s13+$0x4200]  }
0xce: {  	v11 =	vsub.f32 v42, v11;
	v26 =	vsub.f32 v43, v40;
	v36 =	vshll.u32 v63, $0x10  }
0xcf: {  	v28 =	vsub.f32 v0, v41;
	v14 =	vsub.f32 v46, v44;
	v37 =	vand.u32 $0xFFFF0000, v63;
	v38 =	vld [tilespmem:s13+$0x210]  }
.Ltmp0:
0xd0: {  	v27 =	vsub.f32 v50, v48;
	v13 =	vsub.f32 v47, v45;
	v39 =	vshll.u32 v16, $0x10;
	(pc) =	sbr.rel @p0 .LBB2_3-.Ltmp0, $4  }
0xd1: {  	v29 =	vsub.f32 v29, v49;
	v40 =	vand.u32 $0xFFFF0000, v16;
	v16 =	vsub.f32 v54, v51;
	v41 =	vld [tilespmem:s13+$0x4210]  }
0xd2: {  	v34 =	vsub.f32 v34, v53;
	v15 =	vsub.f32 v55, v52;
	v42 =	vshll.u32 v18, $0x10  }
0xd3: {  	v32 =	vsub.f32 v57, v56;
	v19 =	vsub.f32 v60, v58;
	v43 =	vand.u32 $0xFFFF0000, v18  }
0xd4: {  	s12 =	sadd.s32 $0x100, s12;
	v35 =	vsub.f32 v2, v61;
	v18 =	vsub.f32 v62, v59;
	v44 =	vshll.u32 v38, $0x10  }
0xd5: {  	p0 =	seq.s32 s10, $0x3  }
0xd6: {  	s11 =	sshll.u32 @!p0 s10, $0x6  }
0xd7: {  	v0 =	vld @!p0 [tilespmem:s11+$0x40];
	_ =	sdelay $0x4  }
0xd8: {  	v2 =	vshll.u32 @!p0 v0, $0x1  }
0xd9: {  	v45 =	vlaneseq.u32 @!p0;
	v0 =	vand.u32 @!p0 $0x7, v0;
	v2 =	vand.u32 @!p0 $0xFFFFFFF0, v2  }
0xda: {  	v46 =	vshrl.u32 @!p0 v45, $0x3;
	v0 =	vor.u32 @!p0 v0, v2;
	v2 =	vand.u32 @!p0 $0x7, v45  }
0xdb: {  	v46 =	vmul.u32 @!p0 $0x8, v46;
	v47 =	vperm.xlane @!p0 v0, v2  }
0xdc: {  	v45 =	vor.u32 @!p0 $0x8, v45  }
0xdd: {  	v0 =	vperm.xlane @!p0 v0, v45;
	v47 =	vadd.s32 @!p0 v46, v47;
	_ =	sdelay $0x1  }
0xde: {  	v0 =	vadd.s32 @!p0 v46, v0;
	_ =	sdelay $0x1  }
0xdf: {  	vm1 =	vmmov @!p0 $0xffff;
	s12 =	simm.s32 @!p0 $0x0;
	s13 =	simm.s32 @!p0 $0x200  }
0xe0: {  	[tilespmem:s13], [sflag:$0x1] =	stream.indirect_vreg.gather @!p0 [hbm4b:s1+s12], $0x80, v47, vm1, $0xb8;
	[tilespmem:$0x8280] =	vst v63  }
0xe1: {  	s13 =	simm.s32 @!p0 $0xA00  }
0xe2: {  	[tilespmem:s13], [sflag:$0x1] =	stream.indirect_vreg.gather @!p0 [hbm4b:s1+s12], $0x80, v0, vm1, $0xb8;
	[tilespmem:$0x8280] =	vst v63  }
0xe3: {  	v0 =	vld @!p0 [tilespmem:s11+$0x50];
	_ =	sdelay $0x4  }
0xe4: {  	v47 =	vshll.u32 @!p0 v0, $0x1  }
0xe5: {  	v0 =	vand.u32 @!p0 $0x7, v0;
	v47 =	vand.u32 @!p0 $0xFFFFFFF0, v47  }
0xe6: {  	v0 =	vor.u32 @!p0 v0, v47  }
0xe7: {  	v47 =	vperm.xlane @!p0 v0, v2;
	_ =	sdelay $0x1  }
0xe8: {  	v0 =	vperm.xlane @!p0 v0, v45;
	v47 =	vadd.s32 @!p0 v46, v47;
	_ =	sdelay $0x1  }
0xe9: {  	v0 =	vadd.s32 @!p0 v46, v0;
	_ =	sdelay $0x1  }
0xea: {  	s13 =	simm.s32 @!p0 $0x1200  }
0xeb: {  	[tilespmem:s13], [sflag:$0x1] =	stream.indirect_vreg.gather @!p0 [hbm4b:s1+s12], $0x80, v47, vm1, $0xb8;
	[tilespmem:$0x8280] =	vst v63  }
0xec: {  	s13 =	simm.s32 @!p0 $0x1A00  }
0xed: {  	[tilespmem:s13], [sflag:$0x1] =	stream.indirect_vreg.gather @!p0 [hbm4b:s1+s12], $0x80, v0, vm1, $0xb8;
	[tilespmem:$0x8280] =	vst v63  }
0xee: {  	v0 =	vld @!p0 [tilespmem:s11+$0x140];
	_ =	sdelay $0x4  }
0xef: {  	v47 =	vshll.u32 @!p0 v0, $0x1  }
0xf0: {  	v0 =	vand.u32 @!p0 $0x7, v0;
	v47 =	vand.u32 @!p0 $0xFFFFFFF0, v47  }
0xf1: {  	v0 =	vor.u32 @!p0 v0, v47  }
0xf2: {  	v47 =	vperm.xlane @!p0 v0, v2;
	_ =	sdelay $0x1  }
0xf3: {  	v0 =	vperm.xlane @!p0 v0, v45;
	v47 =	vadd.s32 @!p0 v46, v47;
	_ =	sdelay $0x1  }
0xf4: {  	v0 =	vadd.s32 @!p0 v46, v0;
	_ =	sdelay $0x1  }
0xf5: {  	s13 =	simm.s32 @!p0 $0x4200  }
0xf6: {  	[tilespmem:s13], [sflag:$0x3] =	stream.indirect_vreg.gather @!p0 [hbm4b:s2+s12], $0x80, v47, vm1, $0xb8;
	[tilespmem:$0x8280] =	vst v63  }
0xf7: {  	s13 =	simm.s32 @!p0 $0x4A00  }
0xf8: {  	[tilespmem:s13], [sflag:$0x3] =	stream.indirect_vreg.gather @!p0 [hbm4b:s2+s12], $0x80, v0, vm1, $0xb8;
	[tilespmem:$0x8280] =	vst v63  }
0xf9: {  	v0 =	vld @!p0 [tilespmem:s11+$0x150];
	_ =	sdelay $0x4  }
0xfa: {  	v47 =	vshll.u32 @!p0 v0, $0x1  }
0xfb: {  	v0 =	vand.u32 @!p0 $0x7, v0;
	v47 =	vand.u32 @!p0 $0xFFFFFFF0, v47  }
0xfc: {  	v0 =	vor.u32 @!p0 v0, v47  }
0xfd: {  	v2 =	vperm.xlane @!p0 v0, v2;
	_ =	sdelay $0x1  }
0xfe: {  	v25 =	vsub.f32 v30, v25;
	v0 =	vperm.xlane @!p0 v0, v45;
	v2 =	vadd.s32 @!p0 v46, v2  }
0xff: {  	v30 =	vsub.f32 v36, v31;
	v31 =	vsub.f32 v42, v39  }
0x100: {  	v33 =	vsub.f32 v37, v33;
	v58 =	vshll.u32 v41, $0x10;
	v0 =	vadd.s32 @!p0 v46, v0  }
0x101: {  	v38 =	vand.u32 $0xFFFF0000, v38;
	v59 =	vsub.f32 v43, v40;
	v36 =	vsub.f32 v58, v44  }
0x102: {  	v21 =	vand.u32 $0x7FFFFFFF, v21;
	v22 =	vand.u32 $0x7FFFFFFF, v22;
	v60 =	vand.u32 $0xFFFF0000, v41;
	s13 =	simm.s32 @!p0 $0x5200  }
0x103: {  	v38 =	vsub.f32 v60, v38;
	v31 =	vand.u32 $0x7FFFFFFF, v31;
	v62 =	vand.u32 $0x7FFFFFFF, v36;
	[tilespmem:s13], [sflag:$0x3] =	stream.indirect_vreg.gather @!p0 [hbm4b:s2+s12], $0x80, v2, vm1, $0xb8;
	[tilespmem:$0x8280] =	vst v63  }
0x104: {  	v61 =	vand.u32 $0x7FFFFFFF, v59;
	v30 =	vand.u32 $0x7FFFFFFF, v30;
	v4 =	vadd.f32 v62, v4;
	s13 =	simm.s32 @!p0 $0x5A00  }
0x105: {  	v6 =	vadd.f32 v31, v6;
	v5 =	vadd.f32 v61, v5;
	v31 =	vand.u32 $0x7FFFFFFF, v38;
	[tilespmem:s13], [sflag:$0x3] =	stream.indirect_vreg.gather @!p0 [hbm4b:s2+s12], $0x80, v0, vm1, $0xb8;
	[tilespmem:$0x8280] =	vst v63  }
0x106: {  	v25 =	vand.u32 $0x7FFFFFFF, v25;
	v3 =	vadd.f32 v31, v3;
	v4 =	vadd.f32 v30, v4;
	_ =	swait.ge [sflag:s30], $0x2000  }
0x107: {  	v19 =	vand.u32 $0x7FFFFFFF, v19;
	v5 =	vadd.f32 v25, v5;
	v25 =	vand.u32 $0x7FFFFFFF, v33;
	[sflag:s30] =	ssyncset.done $0x0  }
0x108: {  	v32 =	vand.u32 $0x7FFFFFFF, v32;
	v3 =	vadd.f32 v25, v3;
	v4 =	vadd.f32 v19, v4;
	[sflag:s30] =	ssyncadd.s32 $0xFFFFE000  }
0x109: {  	v16 =	vand.u32 $0x7FFFFFFF, v16;
	v18 =	vand.u32 $0x7FFFFFFF, v18;
	v5 =	vadd.f32 v32, v5;
	s12 =	simm.s32 $0x0;
	_ =	swait.ge [sflag:s31], $0x2000  }
0x10a: {  	v15 =	vand.u32 $0x7FFFFFFF, v15;
	v3 =	vadd.f32 v18, v3;
	v4 =	vadd.f32 v16, v4;
	s15 =	sand.u32 $0x1800, s12;
	s14 =	sand.u32 $0x380, s12;
	[sflag:s31] =	ssyncset.done $0x0  }
0x10b: {  	v0 =	vand.u32 $0x7FFFFFFF, v28;
	v28 =	vand.u32 $0x7FFFFFFF, v29;
	v29 =	vand.u32 $0x7FFFFFFF, v35;
	s13 =	sor.u32 s14, s15;
	[sflag:s31] =	ssyncadd.s32 $0xFFFFE000  }
0x10c: {  	v2 =	vand.u32 $0x7FFFFFFF, v17;
	v17 =	vand.u32 $0x7FFFFFFF, v20;
	v6 =	vadd.f32 v29, v6;
	v29 =	vld [tilespmem:s13+$0x2660]  }
0x10d: {  	v20 =	vand.u32 $0x7FFFFFFF, v24;
	v24 =	vand.u32 $0x7FFFFFFF, v26;
	v26 =	vand.u32 $0x7FFFFFFF, v34;
	v25 =	vld [tilespmem:s13+$0x6660]  }
0x10e: {  	v14 =	vand.u32 $0x7FFFFFFF, v14;
	v5 =	vadd.f32 v28, v5;
	v6 =	vadd.f32 v26, v6;
	v19 =	vld [tilespmem:s13+$0x2670]  }
0x10f: {  	v27 =	vand.u32 $0x7FFFFFFF, v27;
	v3 =	vadd.f32 v15, v3;
	v4 =	vadd.f32 v14, v4;
	v18 =	vld [tilespmem:s13+$0x6670]  }
0x110: {  	v0 =	vadd.f32 v0, v5;
	v5 =	vand.u32 $0x7FFFFFFF, v13;
	v6 =	vadd.f32 v27, v6;
	v16 =	vld [tilespmem:s13+$0x2640]  }
0x111: {  	v23 =	vand.u32 $0x7FFFFFFF, v23;
	v3 =	vadd.f32 v5, v3;
	v5 =	vand.u32 $0x7FFFFFFF, v12;
	v15 =	vld [tilespmem:s13+$0x6640]  }
0x112: {  	v11 =	vand.u32 $0x7FFFFFFF, v11;
	v4 =	vadd.f32 v5, v4;
	v6 =	vadd.f32 v24, v6;
	v12 =	vld [tilespmem:s13+$0x6650]  }
0x113: {  	v0 =	vadd.f32 v23, v0;
	v5 =	vand.u32 $0x7FFFFFFF, v10;
	v3 =	vadd.f32 v11, v3;
	v14 =	vld [tilespmem:s13+$0x2620]  }
0x114: {  	v9 =	vand.u32 $0x7FFFFFFF, v9;
	v10 =	vld [tilespmem:s13+$0x6620];
	v4 =	vadd.f32 v5, v4;
	v6 =	vadd.f32 v20, v6  }
0x115: {  	v0 =	vadd.f32 v22, v0;
	v11 =	vld [tilespmem:s13+$0x2630];
	v9 =	vadd.f32 v9, v3;
	v3 =	vand.u32 $0x7FFFFFFF, v8  }
0x116: {  	v23 =	vld [tilespmem:s13+$0x6610];
	v3 =	vadd.f32 v3, v4;
	v6 =	vadd.f32 v21, v6  }
0x117: {  	v30 =	vld [tilespmem:s13+$0x2270];
	v8 =	vshll.u32 v29, $0x10;
	v20 =	vshll.u32 v25, $0x10;
	v21 =	vand.u32 $0xFFFF0000, v25  }
0x118: {  	v31 =	vld [tilespmem:s13+$0x6270];
	v22 =	vshll.u32 v19, $0x10;
	v24 =	vand.u32 $0xFFFF0000, v19;
	v19 =	vshll.u32 v18, $0x10  }
0x119: {  	v63 =	vld [tilespmem:s13+$0x6240];
	v26 =	vand.u32 $0xFFFF0000, v18;
	v27 =	vshll.u32 v16, $0x10;
	v16 =	vand.u32 $0xFFFF0000, v16  }
0x11a: {  	v43 =	vld [tilespmem:s13+$0x6250];
	v28 =	vshll.u32 v15, $0x10;
	v15 =	vand.u32 $0xFFFF0000, v15;
	v33 =	vshll.u32 v14, $0x10  }
0x11b: {  	v52 =	vld [tilespmem:s13+$0x6220];
	v32 =	vshll.u32 v12, $0x10;
	v12 =	vand.u32 $0xFFFF0000, v12;
	v14 =	vand.u32 $0xFFFF0000, v14  }
0x11c: {  	v13 =	vld [tilespmem:s13+$0x2650];
	v34 =	vshll.u32 v10, $0x10;
	v35 =	vand.u32 $0xFFFF0000, v10;
	v36 =	vshll.u32 v11, $0x10  }
0x11d: {  	v18 =	vld [tilespmem:s13+$0x2260];
	v11 =	vand.u32 $0xFFFF0000, v11;
	v45 =	vshll.u32 v23, $0x10;
	v46 =	vand.u32 $0xFFFF0000, v23  }
0x11e: {  	v25 =	vld [tilespmem:s13+$0x6260];
	v51 =	vshll.u32 v30, $0x10;
	v30 =	vand.u32 $0xFFFF0000, v30;
	v54 =	vshll.u32 v31, $0x10  }
0x11f: {  	v10 =	vld [tilespmem:s13+$0x2240];
	v55 =	vand.u32 $0xFFFF0000, v31;
	v57 =	vshll.u32 v63, $0x10;
	v58 =	vand.u32 $0xFFFF0000, v63  }
0x120: {  	v23 =	vld [tilespmem:s13+$0x2220];
	v61 =	vshll.u32 v43, $0x10;
	v63 =	vand.u32 $0xFFFF0000, v43;
	v31 =	vand.u32 $0xFFFF0000, v52  }
0x121: {  	v5 =	vadd.f32 v2, v6;
	v6 =	vadd.f32 v17, v0;
	v0 =	vand.u32 $0x7FFFFFFF, v7  }
0x122: {  	v7 =	vld [tilespmem:s13+$0x2600];
	v4 =	vadd.f32 v0, v9;
	v9 =	vand.u32 $0xFFFF0000, v29;
	v29 =	vshll.u32 v13, $0x10  }
0x123: {  	v17 =	vld [tilespmem:s13+$0x2610];
	v13 =	vand.u32 $0xFFFF0000, v13;
	v47 =	vshll.u32 v18, $0x10;
	v48 =	vand.u32 $0xFFFF0000, v18  }
0x124: {  	v49 =	vshll.u32 v25, $0x10;
	v50 =	vand.u32 $0xFFFF0000, v25;
	v53 =	vshll.u32 v10, $0x10  }
0x125: {  	v38 =	vld [tilespmem:s13+$0x2230];
	v56 =	vand.u32 $0xFFFF0000, v10;
	v62 =	vshll.u32 v23, $0x10;
	v25 =	vand.u32 $0xFFFF0000, v23  }
0x126: {  	v2 =	vld [tilespmem:s13+$0x6630];
	v18 =	vsub.f32 v21, v9;
	v21 =	vshll.u32 v52, $0x10;
	v10 =	vsub.f32 v32, v29  }
0x127: {  	v9 =	vsub.f32 v12, v13;
	v23 =	vsub.f32 v35, v14;
	v39 =	vshll.u32 v7, $0x10  }
0x128: {  	v0 =	vld [tilespmem:s13+$0x6600];
	v42 =	vshll.u32 v17, $0x10;
	v44 =	vand.u32 $0xFFFF0000, v17;
	v17 =	vsub.f32 v20, v8  }
0x129: {  	v40 =	vand.u32 $0xFFFF0000, v7;
	v7 =	vld [tilespmem:s13+$0x2250];
	v8 =	vsub.f32 v19, v22;
	v19 =	vsub.f32 v28, v27  }
0x12a: {  	v32 =	vshll.u32 v38, $0x10;
	v22 =	vsub.f32 v15, v16;
	v27 =	vsub.f32 v49, v47  }
0x12b: {  	v43 =	vld [tilespmem:s13+$0x2200];
	v37 =	vshll.u32 v2, $0x10;
	v29 =	vsub.f32 v50, v48;
	v16 =	vsub.f32 v54, v51  }
0x12c: {  	v52 =	vld [tilespmem:s13+$0x6200];
	v2 =	vand.u32 $0xFFFF0000, v2;
	v15 =	vsub.f32 v55, v30;
	v30 =	vsub.f32 v58, v56  }
0x12d: {  	v20 =	vld [tilespmem:s13+$0x6230];
	v35 =	vsub.f32 v21, v62;
	v41 =	vshll.u32 v0, $0x10;
	v12 =	vsub.f32 v37, v36  }
0x12e: {  	v11 =	vsub.f32 v2, v11;
	v59 =	vshll.u32 v7, $0x10;
	v60 =	vand.u32 $0xFFFF0000, v7  }
0x12f: {  	v7 =	vsub.f32 v26, v24;
	v24 =	vsub.f32 v34, v33;
	v33 =	vand.u32 $0xFFFF0000, v38;
	v38 =	vld [tilespmem:s13+$0x2210]  }
0x130: {  	v0 =	vand.u32 $0xFFFF0000, v0;
	v14 =	vsub.f32 v45, v42;
	v13 =	vsub.f32 v46, v44  }
0x131: {  	v28 =	vsub.f32 v0, v40;
	v40 =	vshll.u32 v43, $0x10;
	v26 =	vsub.f32 v41, v39;
	v41 =	vld [tilespmem:s13+$0x6210]  }
0x132: {  	v42 =	vand.u32 $0xFFFF0000, v52;
	v36 =	vshll.u32 v20, $0x10;
	v37 =	vand.u32 $0xFFFF0000, v20  }
0x133: {  	v39 =	vand.u32 $0xFFFF0000, v43;
	v43 =	vshll.u32 v52, $0x10;
	v34 =	vsub.f32 v57, v53  }
0x134: {  	s10 =	sadd.s32 $0x1, s10;
	s13 =	simm.s32 $0x100;
	v20 =	vsub.f32 v61, v59;
	v21 =	vsub.f32 v63, v60;
	v44 =	vshll.u32 v38, $0x10  }
.LBB2_5:
0x135: {  	p1 =	sne.s32 s13, $0x1F00;
	v0 =	vand.u32 $0xFFFF0000, v38;
	v2 =	vsub.f32 v31, v25;
	v25 =	vsub.f32 v36, v32  }
0x136: {  	v31 =	vsub.f32 v43, v40;
	v33 =	vsub.f32 v37, v33;
	v32 =	vshll.u32 v41, $0x10  }
0x137: {  	v36 =	vsub.f32 v42, v39;
	v37 =	vand.u32 $0xFFFF0000, v41;
	v32 =	vsub.f32 v32, v44  }
0x138: {  	v17 =	vand.u32 $0x7FFFFFFF, v17;
	v18 =	vand.u32 $0x7FFFFFFF, v18;
	v0 =	vsub.f32 v37, v0  }
0x139: {  	v24 =	vand.u32 $0x7FFFFFFF, v24;
	v19 =	vand.u32 $0x7FFFFFFF, v19;
	v22 =	vand.u32 $0x7FFFFFFF, v22  }
0x13a: {  	v26 =	vand.u32 $0x7FFFFFFF, v26;
	v28 =	vand.u32 $0x7FFFFFFF, v28;
	v23 =	vand.u32 $0x7FFFFFFF, v23  }
0x13b: {  	v34 =	vand.u32 $0x7FFFFFFF, v34;
	v27 =	vand.u32 $0x7FFFFFFF, v27;
	v29 =	vand.u32 $0x7FFFFFFF, v29  }
0x13c: {  	v30 =	vand.u32 $0x7FFFFFFF, v30;
	v35 =	vand.u32 $0x7FFFFFFF, v35;
	v2 =	vand.u32 $0x7FFFFFFF, v2  }
0x13d: {  	v31 =	vand.u32 $0x7FFFFFFF, v31;
	v36 =	vand.u32 $0x7FFFFFFF, v36;
	v32 =	vand.u32 $0x7FFFFFFF, v32  }
0x13e: {  	s12 =	sadd.s32 $0x80, s12;
	v5 =	vadd.f32 v31, v5;
	v6 =	vadd.f32 v36, v6;
	v0 =	vand.u32 $0x7FFFFFFF, v0  }
0x13f: {  	s14 =	sand.u32 $0x1800, s13;
	s15 =	sand.u32 $0x380, s12;
	v3 =	vadd.f32 v32, v3;
	v0 =	vadd.f32 v0, v4;
	v4 =	vand.u32 $0x7FFFFFFF, v25  }
0x140: {  	s14 =	sor.u32 s15, s14;
	v5 =	vadd.f32 v35, v5;
	v2 =	vadd.f32 v2, v6;
	v6 =	vand.u32 $0x7FFFFFFF, v33  }
0x141: {  	v3 =	vadd.f32 v4, v3;
	v0 =	vadd.f32 v6, v0;
	v4 =	vand.u32 $0x7FFFFFFF, v20;
	v25 =	vld [tilespmem:s14+$0x2660]  }
0x142: {  	v5 =	vadd.f32 v34, v5;
	v2 =	vadd.f32 v30, v2;
	v6 =	vand.u32 $0x7FFFFFFF, v21;
	v20 =	vld [tilespmem:s14+$0x6660]  }
0x143: {  	v3 =	vadd.f32 v4, v3;
	v0 =	vadd.f32 v6, v0;
	v4 =	vand.u32 $0x7FFFFFFF, v16;
	v21 =	vld [tilespmem:s14+$0x2670]  }
0x144: {  	v5 =	vadd.f32 v27, v5;
	v2 =	vadd.f32 v29, v2;
	v6 =	vand.u32 $0x7FFFFFFF, v15;
	v16 =	vld [tilespmem:s14+$0x6670]  }
0x145: {  	v3 =	vadd.f32 v4, v3;
	v0 =	vadd.f32 v6, v0;
	v4 =	vand.u32 $0x7FFFFFFF, v14;
	v15 =	vld [tilespmem:s14+$0x2640]  }
0x146: {  	v5 =	vadd.f32 v26, v5;
	v2 =	vadd.f32 v28, v2;
	v6 =	vand.u32 $0x7FFFFFFF, v13;
	v14 =	vld [tilespmem:s14+$0x6640]  }
0x147: {  	v3 =	vadd.f32 v4, v3;
	v0 =	vadd.f32 v6, v0;
	v4 =	vand.u32 $0x7FFFFFFF, v12;
	v13 =	vld [tilespmem:s14+$0x2650]  }
0x148: {  	v5 =	vadd.f32 v24, v5;
	v2 =	vadd.f32 v23, v2;
	v6 =	vand.u32 $0x7FFFFFFF, v11;
	v12 =	vld [tilespmem:s14+$0x6650]  }
0x149: {  	v3 =	vadd.f32 v4, v3;
	v0 =	vadd.f32 v6, v0;
	v4 =	vand.u32 $0x7FFFFFFF, v10;
	v11 =	vld [tilespmem:s14+$0x2620]  }
0x14a: {  	v5 =	vadd.f32 v19, v5;
	v2 =	vadd.f32 v22, v2;
	v6 =	vand.u32 $0x7FFFFFFF, v9;
	v10 =	vld [tilespmem:s14+$0x6620]  }
0x14b: {  	v3 =	vadd.f32 v4, v3;
	v0 =	vadd.f32 v6, v0;
	v4 =	vand.u32 $0x7FFFFFFF, v8;
	v9 =	vld [tilespmem:s14+$0x2630]  }
0x14c: {  	v5 =	vadd.f32 v17, v5;
	v6 =	vadd.f32 v18, v2;
	v2 =	vand.u32 $0x7FFFFFFF, v7;
	v8 =	vld [tilespmem:s14+$0x6630]  }
0x14d: {  	v3 =	vadd.f32 v4, v3;
	v4 =	vadd.f32 v2, v0;
	v7 =	vld [tilespmem:s14+$0x2600]  }
0x14e: {  	v18 =	vand.u32 $0xFFFF0000, v25;
	v2 =	vshll.u32 v25, $0x10;
	v0 =	vld [tilespmem:s14+$0x6600]  }
0x14f: {  	v19 =	vshll.u32 v20, $0x10;
	v20 =	vand.u32 $0xFFFF0000, v20;
	v22 =	vshll.u32 v21, $0x10;
	v17 =	vld [tilespmem:s14+$0x2610]  }
0x150: {  	v21 =	vand.u32 $0xFFFF0000, v21;
	v24 =	vshll.u32 v16, $0x10;
	v16 =	vand.u32 $0xFFFF0000, v16;
	v23 =	vld [tilespmem:s14+$0x6610]  }
0x151: {  	v26 =	vshll.u32 v15, $0x10;
	v15 =	vand.u32 $0xFFFF0000, v15;
	v27 =	vshll.u32 v14, $0x10;
	v25 =	vld [tilespmem:s14+$0x2260]  }
0x152: {  	v14 =	vand.u32 $0xFFFF0000, v14;
	v29 =	vshll.u32 v13, $0x10;
	v13 =	vand.u32 $0xFFFF0000, v13;
	v28 =	vld [tilespmem:s14+$0x6260]  }
0x153: {  	v32 =	vshll.u32 v12, $0x10;
	v12 =	vand.u32 $0xFFFF0000, v12;
	v33 =	vshll.u32 v11, $0x10;
	v30 =	vld [tilespmem:s14+$0x2270]  }
0x154: {  	v11 =	vand.u32 $0xFFFF0000, v11;
	v34 =	vshll.u32 v10, $0x10;
	v35 =	vand.u32 $0xFFFF0000, v10;
	v31 =	vld [tilespmem:s14+$0x6270]  }
0x155: {  	v36 =	vshll.u32 v9, $0x10;
	v37 =	vand.u32 $0xFFFF0000, v9;
	v38 =	vshll.u32 v8, $0x10;
	v10 =	vld [tilespmem:s14+$0x2240]  }
0x156: {  	v41 =	vand.u32 $0xFFFF0000, v8;
	v39 =	vshll.u32 v7, $0x10;
	v40 =	vand.u32 $0xFFFF0000, v7;
	v9 =	vld [tilespmem:s14+$0x6240]  }
0x157: {  	v42 =	vshll.u32 v0, $0x10;
	v0 =	vand.u32 $0xFFFF0000, v0;
	v43 =	vshll.u32 v17, $0x10;
	v7 =	vld [tilespmem:s14+$0x2250]  }
0x158: {  	v44 =	vand.u32 $0xFFFF0000, v17;
	v45 =	vshll.u32 v23, $0x10;
	v46 =	vand.u32 $0xFFFF0000, v23;
	v8 =	vld [tilespmem:s14+$0x6250]  }
0x159: {  	v47 =	vshll.u32 v25, $0x10;
	v48 =	vand.u32 $0xFFFF0000, v25;
	v49 =	vshll.u32 v28, $0x10;
	v23 =	vld [tilespmem:s14+$0x2220]  }
0x15a: {  	v50 =	vand.u32 $0xFFFF0000, v28;
	v51 =	vshll.u32 v30, $0x10;
	v30 =	vand.u32 $0xFFFF0000, v30  }
0x15b: {  	v53 =	vshll.u32 v31, $0x10;
	v54 =	vand.u32 $0xFFFF0000, v31;
	v52 =	vshll.u32 v10, $0x10;
	v28 =	vld [tilespmem:s14+$0x6220]  }
0x15c: {  	v55 =	vand.u32 $0xFFFF0000, v10;
	v56 =	vshll.u32 v9, $0x10;
	v57 =	vand.u32 $0xFFFF0000, v9  }
0x15d: {  	v59 =	vshll.u32 v7, $0x10;
	v60 =	vand.u32 $0xFFFF0000, v7;
	v58 =	vld [tilespmem:s14+$0x2230];
	v61 =	vshll.u32 v8, $0x10  }
0x15e: {  	v17 =	vsub.f32 v19, v2;
	v63 =	vand.u32 $0xFFFF0000, v8;
	v62 =	vshll.u32 v23, $0x10  }
0x15f: {  	v18 =	vsub.f32 v20, v18;
	v8 =	vsub.f32 v24, v22;
	v25 =	vand.u32 $0xFFFF0000, v23;
	v2 =	vld [tilespmem:s14+$0x6230]  }
0x160: {  	v19 =	vsub.f32 v27, v26;
	v7 =	vsub.f32 v16, v21;
	v1 =	vshll.u32 v28, $0x10  }
0x161: {  	v10 =	vsub.f32 v32, v29;
	v22 =	vsub.f32 v14, v15;
	v31 =	vand.u32 $0xFFFF0000, v28;
	v16 =	vld [tilespmem:s14+$0x2200]  }
0x162: {  	v9 =	vsub.f32 v12, v13;
	v24 =	vsub.f32 v34, v33;
	v32 =	vshll.u32 v58, $0x10  }
0x163: {  	v12 =	vsub.f32 v38, v36;
	v23 =	vsub.f32 v35, v11;
	v33 =	vand.u32 $0xFFFF0000, v58;
	v20 =	vld [tilespmem:s14+$0x6200]  }
0x164: {  	v26 =	vsub.f32 v42, v39;
	v11 =	vsub.f32 v41, v37;
	v36 =	vshll.u32 v2, $0x10  }
0x165: {  	v14 =	vsub.f32 v45, v43;
	v28 =	vsub.f32 v0, v40;
	v37 =	vand.u32 $0xFFFF0000, v2;
	v38 =	vld [tilespmem:s14+$0x2210]  }
.Ltmp1:
0x166: {  	v27 =	vsub.f32 v49, v47;
	v13 =	vsub.f32 v46, v44;
	v40 =	vshll.u32 v16, $0x10;
	(pc) =	sbr.rel @p1 .LBB2_5-.Ltmp1, $4  }
0x167: {  	v29 =	vsub.f32 v50, v48;
	v39 =	vand.u32 $0xFFFF0000, v16;
	v16 =	vsub.f32 v53, v51;
	v41 =	vld [tilespmem:s14+$0x6210]  }
0x168: {  	v34 =	vsub.f32 v56, v52;
	v15 =	vsub.f32 v54, v30;
	v43 =	vshll.u32 v20, $0x10  }
0x169: {  	v30 =	vsub.f32 v57, v55;
	v42 =	vand.u32 $0xFFFF0000, v20;
	v20 =	vsub.f32 v61, v59  }
0x16a: {  	s13 =	sadd.s32 $0x100, s13;
	v21 =	vsub.f32 v63, v60;
	v35 =	vsub.f32 v1, v62;
	v44 =	vshll.u32 v38, $0x10  }
0x16b: {  	v0 =	vld @!p0 [tilespmem:s11+$0x60];
	_ =	sdelay $0x4  }
0x16c: {  	v1 =	vshll.u32 @!p0 v0, $0x1  }
0x16d: {  	v2 =	vlaneseq.u32 @!p0;
	v0 =	vand.u32 @!p0 $0x7, v0;
	v1 =	vand.u32 @!p0 $0xFFFFFFF0, v1  }
0x16e: {  	v45 =	vshrl.u32 @!p0 v2, $0x3;
	v0 =	vor.u32 @!p0 v0, v1;
	v1 =	vand.u32 @!p0 $0x7, v2  }
0x16f: {  	v45 =	vmul.u32 @!p0 $0x8, v45;
	v46 =	vperm.xlane @!p0 v0, v1  }
0x170: {  	v2 =	vor.u32 @!p0 $0x8, v2  }
0x171: {  	v0 =	vperm.xlane @!p0 v0, v2;
	v46 =	vadd.s32 @!p0 v45, v46;
	_ =	sdelay $0x1  }
0x172: {  	v0 =	vadd.s32 @!p0 v45, v0;
	_ =	sdelay $0x1  }
0x173: {  	s12 =	simm.s32 @!p0 $0x0;
	s13 =	simm.s32 @!p0 $0x2200  }
0x174: {  	[tilespmem:s13], [sflag:$0x2] =	stream.indirect_vreg.gather @!p0 [hbm4b:s1+s12], $0x80, v46, vm1, $0xb8;
	[tilespmem:$0x8280] =	vst v63  }
0x175: {  	s13 =	simm.s32 @!p0 $0x2A00  }
0x176: {  	[tilespmem:s13], [sflag:$0x2] =	stream.indirect_vreg.gather @!p0 [hbm4b:s1+s12], $0x80, v0, vm1, $0xb8;
	[tilespmem:$0x8280] =	vst v63  }
0x177: {  	v0 =	vld @!p0 [tilespmem:s11+$0x70];
	_ =	sdelay $0x4  }
0x178: {  	v46 =	vshll.u32 @!p0 v0, $0x1  }
0x179: {  	v0 =	vand.u32 @!p0 $0x7, v0;
	v46 =	vand.u32 @!p0 $0xFFFFFFF0, v46  }
0x17a: {  	v0 =	vor.u32 @!p0 v0, v46  }
0x17b: {  	v46 =	vperm.xlane @!p0 v0, v1;
	_ =	sdelay $0x1  }
0x17c: {  	v0 =	vperm.xlane @!p0 v0, v2;
	v46 =	vadd.s32 @!p0 v45, v46;
	_ =	sdelay $0x1  }
0x17d: {  	v0 =	vadd.s32 @!p0 v45, v0;
	_ =	sdelay $0x1  }
0x17e: {  	s13 =	simm.s32 @!p0 $0x3200  }
0x17f: {  	[tilespmem:s13], [sflag:$0x2] =	stream.indirect_vreg.gather @!p0 [hbm4b:s1+s12], $0x80, v46, vm1, $0xb8;
	[tilespmem:$0x8280] =	vst v63  }
0x180: {  	s13 =	simm.s32 @!p0 $0x3A00  }
0x181: {  	[tilespmem:s13], [sflag:$0x2] =	stream.indirect_vreg.gather @!p0 [hbm4b:s1+s12], $0x80, v0, vm1, $0xb8;
	[tilespmem:$0x8280] =	vst v63  }
0x182: {  	v0 =	vld @!p0 [tilespmem:s11+$0x160];
	_ =	sdelay $0x4  }
0x183: {  	v46 =	vshll.u32 @!p0 v0, $0x1  }
0x184: {  	v0 =	vand.u32 @!p0 $0x7, v0;
	v46 =	vand.u32 @!p0 $0xFFFFFFF0, v46  }
0x185: {  	v0 =	vor.u32 @!p0 v0, v46  }
0x186: {  	v46 =	vperm.xlane @!p0 v0, v1;
	_ =	sdelay $0x1  }
0x187: {  	v25 =	vsub.f32 v31, v25;
	v0 =	vperm.xlane @!p0 v0, v2;
	v31 =	vadd.s32 @!p0 v45, v46;
	_ =	sdelay $0x1  }
0x188: {  	v0 =	vadd.s32 @!p0 v45, v0;
	_ =	sdelay $0x1  }
0x189: {  	v32 =	vsub.f32 v36, v32;
	s13 =	simm.s32 @!p0 $0x6200  }
0x18a: {  	v52 =	vsub.f32 v43, v40;
	v33 =	vsub.f32 v37, v33;
	v53 =	vand.u32 $0xFFFF0000, v38;
	[tilespmem:s13], [sflag:$0x4] =	stream.indirect_vreg.gather @!p0 [hbm4b:s2+s12], $0x80, v31, vm1, $0xb8;
	[tilespmem:$0x8280] =	vst v63  }
0x18b: {  	v54 =	vsub.f32 v42, v39;
	v17 =	vand.u32 $0x7FFFFFFF, v17;
	v18 =	vand.u32 $0x7FFFFFFF, v18;
	s13 =	simm.s32 @!p0 $0x6A00  }
0x18c: {  	v24 =	vand.u32 $0x7FFFFFFF, v24;
	v19 =	vand.u32 $0x7FFFFFFF, v19;
	v26 =	vand.u32 $0x7FFFFFFF, v26;
	[tilespmem:s13], [sflag:$0x4] =	stream.indirect_vreg.gather @!p0 [hbm4b:s2+s12], $0x80, v0, vm1, $0xb8;
	[tilespmem:$0x8280] =	vst v63  }
0x18d: {  	v28 =	vand.u32 $0x7FFFFFFF, v28;
	v23 =	vand.u32 $0x7FFFFFFF, v23;
	v57 =	vand.u32 $0x7FFFFFFF, v34;
	v34 =	vld @!p0 [tilespmem:s11+$0x170]  }
0x18e: {  	v27 =	vand.u32 $0x7FFFFFFF, v27;
	v30 =	vand.u32 $0x7FFFFFFF, v30;
	v20 =	vand.u32 $0x7FFFFFFF, v20  }
0x18f: {  	v55 =	vshll.u32 v41, $0x10;
	v56 =	vand.u32 $0xFFFF0000, v41;
	v58 =	vand.u32 $0x7FFFFFFF, v35  }
0x190: {  	v39 =	vsub.f32 v55, v44;
	v37 =	vsub.f32 v56, v53;
	v60 =	vand.u32 $0x7FFFFFFF, v54  }
0x191: {  	v25 =	vand.u32 $0x7FFFFFFF, v25;
	v59 =	vand.u32 $0x7FFFFFFF, v52;
	v6 =	vadd.f32 v60, v6  }
0x192: {  	v5 =	vadd.f32 v59, v5;
	v0 =	vand.u32 $0x7FFFFFFF, v29;
	v29 =	vshll.u32 @!p0 v34, $0x1  }
0x193: {  	v6 =	vadd.f32 v25, v6;
	v25 =	vand.u32 @!p0 $0x7, v34;
	v29 =	vand.u32 @!p0 $0xFFFFFFF0, v29  }
0x194: {  	v32 =	vand.u32 $0x7FFFFFFF, v32;
	v61 =	vand.u32 $0x7FFFFFFF, v39;
	v25 =	vor.u32 @!p0 v25, v29  }
0x195: {  	v62 =	vand.u32 $0x7FFFFFFF, v37;
	v5 =	vadd.f32 v58, v5;
	v1 =	vperm.xlane @!p0 v25, v1  }
0x196: {  	v63 =	vand.u32 $0x7FFFFFFF, v33;
	v3 =	vadd.f32 v61, v3;
	v4 =	vadd.f32 v62, v4  }
0x197: {  	v5 =	vadd.f32 v57, v5;
	v2 =	vperm.xlane @!p0 v25, v2;
	v1 =	vadd.s32 @!p0 v45, v1  }
0x198: {  	v21 =	vand.u32 $0x7FFFFFFF, v21;
	v3 =	vadd.f32 v32, v3;
	v4 =	vadd.f32 v63, v4  }
0x199: {  	v6 =	vadd.f32 v30, v6;
	v5 =	vadd.f32 v27, v5;
	v2 =	vadd.s32 @!p0 v45, v2  }
0x19a: {  	v16 =	vand.u32 $0x7FFFFFFF, v16;
	v3 =	vadd.f32 v20, v3;
	v4 =	vadd.f32 v21, v4  }
0x19b: {  	v5 =	vadd.f32 v26, v5;
	v0 =	vadd.f32 v0, v6;
	v6 =	vand.u32 $0x7FFFFFFF, v15;
	s11 =	simm.s32 @!p0 $0x7200  }
0x19c: {  	v13 =	vand.u32 $0x7FFFFFFF, v13;
	v3 =	vadd.f32 v16, v3;
	v4 =	vadd.f32 v6, v4;
	[tilespmem:s11], [sflag:$0x4] =	stream.indirect_vreg.gather @!p0 [hbm4b:s2+s12], $0x80, v1, vm1, $0xb8;
	[tilespmem:$0x8280] =	vst v63  }
0x19d: {  	p1 =	sne.s32 @!p0 s10, $0x4;
	v5 =	vadd.f32 v24, v5;
	v6 =	vand.u32 $0x7FFFFFFF, v14;
	v0 =	vadd.f32 v28, v0;
	s11 =	simm.s32 @!p0 $0x7A00  }
0x19e: {  	v11 =	vand.u32 $0x7FFFFFFF, v11;
	v3 =	vadd.f32 v6, v3;
	v4 =	vadd.f32 v13, v4;
	[tilespmem:s11], [sflag:$0x4] =	stream.indirect_vreg.gather @!p0 [hbm4b:s2+s12], $0x80, v2, vm1, $0xb8;
	[tilespmem:$0x8280] =	vst v63  }
0x19f: {  	v5 =	vadd.f32 v19, v5;
	v6 =	vand.u32 $0x7FFFFFFF, v12;
	v0 =	vadd.f32 v23, v0;
	p0 =	por p0, !p1  }
.Ltmp2:
0x1a0: {  	v22 =	vand.u32 $0x7FFFFFFF, v22;
	v1 =	vadd.f32 v6, v3;
	v3 =	vadd.f32 v11, v4;
	(pc) =	sbr.rel @!p0 .LBB2_2-.Ltmp2, $4  }
0x1a1: {  	v0 =	vadd.f32 v22, v0;
	v4 =	vand.u32 $0x7FFFFFFF, v10;
	v6 =	vand.u32 $0x7FFFFFFF, v9  }
0x1a2: {  	v1 =	vadd.f32 v4, v1;
	v2 =	vadd.f32 v6, v3;
	v3 =	vand.u32 $0x7FFFFFFF, v8  }
0x1a3: {  	v6 =	vadd.f32 v17, v5;
	v5 =	vadd.f32 v18, v0;
	v0 =	vand.u32 $0x7FFFFFFF, v7  }
0x1a4: {  	v4 =	vadd.f32 v3, v1;
	v3 =	vadd.f32 v0, v2  }
0x1a5: {  	_ = 	snop  }
0x1a6: {  	v0 =	vadd.f32 v5, v6;
	v1 =	vadd.f32 v3, v4;
	_ =	sdelay $0x1  }
0x1a7: {  	s3 =	sadd.s32 $0x1, s3;
	v0 =	vadd.f32 v1, v0  }
0x1a8: {  	p0 =	sne.s32 s3, s8  }
.Ltmp3:
0x1a9: {  	[tilespmem:$0x8200] =	vst v0;
	(pc) =	sbr.rel @p0 .LBB2_1-.Ltmp3, $4  }
0x1aa: {  	[hbm4b:s7+s4] =	stream.linear.scatter [tilespmem:s0], [sflag:$0x5], $0x80, $0x38;
	[tilespmem:$0x8280] =	vst v63  }
0x1ab: {  	_ =	swait.ge [sflag:s9], $0x80  }
0x1ac: {  	[sflag:s9] =	ssyncset.done $0x0  }
0x1ad: {  	[sflag:s9] =	ssyncadd.s32 $0xFFFFFF80  }
0x1ae: {  	_ =	sfence.sel $0x180000  }
0x1af: {  	[bflag:$0x0] =	sbarrier.arrive $0xFFFF  }
0x1b0: {  	_ =	strace $0x90000047  }
0x1b1: {  	s0 =	stileid.u32;
	[bflag:$0x2] =	sbarrier.arrive $0xFFFF  }
0x1b2: {  	p0 =	sne.s32 s0, $0x0;
	s0 =	rddreg [dreg:$0x5]  }
0x1b3: {  	s0 =	sadd.s32 @!p0 $0x100000, s0  }
0x1b4: {  	[sflag:s0] =	ssyncadd.tile.s32 @!p0 $0x1;
	_ =	shalt  }
.Lfunc_end2:
_tile_overlayer_lowered:
.L_overlay_start_2:
0x1b5: {  	(tag) =	ssettag $0x2  }
0x1b6: {  	s0 =	rddreg [dreg:$0x0];
	s2 =	stileid.u32  }
0x1b7: {  	s1 =	rddreg [dreg:$0x1];
	p0 =	sne.s32 s2, $0x0  }
0x1b8: {  	s3 =	rddreg [dreg:$0x2];
	[bflag:$0x3] =	sbarrier.arrive $0xFFFF;
	s2 =	simm.s32 @!p0 $0x1C05  }
0x1b9: {  	[timem:s3], [sflag:s2] =	dma.local @!p0 [hbm:s0], s1  }
0x1ba: {  	s0 =	simm.s32 @!p0 $0x5  }
0x1bb: {  	_ =	swait.ge @!p0 [sflag:s0], s1  }
0x1bc: {  	s1 =	ssub.s32 @!p0 $0x0, s1;
	[sflag:s0] =	ssyncset.done @!p0 $0x0  }
0x1bd: {  	[sflag:s0] =	ssyncadd.s32 @!p0 s1  }
0x1be: {  	[bflag:$0x3] =	sbarrier.arrive $0xFFFF  }
0x1bf: {  	_ =	shalt  }

</sc_bundles>
